<compile_context>
chip_gen: v7x
topology: tpu7x:2x2x1
jax: 0.10.2.dev20260603
libtpu: 0.0.44.dev20260713+nightly
codegen_flags: <defaults>
</compile_context>

<pallas_src>
import functools

import jax
import jax.numpy as jnp
from jax import lax
from jax.experimental import pallas as pl
from jax.experimental.pallas import tpu as pltpu
from jax.experimental.pallas import tpu_sc as plsc

_B, _S, _D, _P = 8, 2048, 128, 8
_LANES = 16
_NV = _D // _LANES
_WIN = 512
_HALF = 256


def _sc_patch_pool(batch, lens_flat):
    mesh = plsc.VectorSubcoreMesh(core_axis_name="c", subcore_axis_name="s")

    @functools.partial(
        pl.kernel,
        out_type=jax.ShapeDtypeStruct((_B, _P, _D), jnp.float32),
        mesh=mesh,
        compiler_params=pltpu.CompilerParams(
            use_tc_tiling_on_sc=False, needs_layout_passes=False,
            disable_bounds_checks=True, disable_semaphore_checks=True,
        ),
        scratch_types=[
            pltpu.VMEM((_LANES,), jnp.int32),
            pltpu.VMEM((_WIN, _D), jnp.float32),
            pltpu.VMEM((_P, _D), jnp.float32),
            pltpu.VMEM((4, 2, _D), jnp.float32),
            pltpu.VMEM((2, _D), jnp.float32),
            pltpu.VMEM_SHARED((16, _P, _D), jnp.float32),
            pltpu.SemaphoreType.DMA,
            pltpu.SemaphoreType.DMA,
            pltpu.SemaphoreType.DMA,
            pltpu.SemaphoreType.DMA,
        ],
    )
    def k(batch_hbm, lens_hbm, out_hbm, lens_v, buf_v, pacc_v, fin4_v,
          fin_v, shared_v, lsem, sem0, sem1, osem):
        cid = lax.axis_index("c")
        sid = lax.axis_index("s")
        b = cid * 4 + sid // 4
        bm = b % 4
        base = (sid % 4) * _WIN
        p0f = 2 * (sid % 4)

        start = jnp.minimum(8 * b, 64 - _LANES)
        pltpu.async_copy(lens_hbm.at[pl.ds(start, _LANES)], lens_v, lsem)
        pltpu.async_copy(
            batch_hbm.at[b, pl.ds(base, _HALF)], buf_v.at[pl.ds(0, _HALF)],
            sem0,
        )

        pltpu.make_async_copy(
            lens_hbm.at[pl.ds(start, _LANES)], lens_v, lsem
        ).wait()
        iota = lax.iota(jnp.int32, _LANES)
        zero_v = jnp.zeros((_LANES,), jnp.int32)
        zf = jnp.zeros((_LANES,), jnp.float32)
        raw = lens_v[...]
        cums = plsc.cumsum(raw)
        ofs = 8 * b - start
        base0 = jnp.where(
            ofs > 0, jnp.sum(jnp.where(iota == 7, cums, zero_v)), 0
        )
        to_v = cums - base0
        frm_v = to_v - raw
        toc_v = jnp.minimum(to_v, _S)
        frmc_v = jnp.minimum(frm_v, _S)
        n_v = toc_v - frmc_v
        lo_v = jnp.clip(frmc_v - base, 0, _WIN)
        hi_v = jnp.clip(toc_v - base, 0, _WIN)

        def accumulate(p, lo, hi, accs):
            def body(j, accs):
                return tuple(
                    a + buf_v[j, pl.ds(d0 * _LANES, _LANES)]
                    for d0, a in enumerate(accs)
                )

            accs = plsc.parallel_loop(lo, hi, unroll=8, carry=accs)(body)

            for d0, a in enumerate(accs):
                pacc_v[p, pl.ds(d0 * _LANES, _LANES)] = a

        pltpu.make_async_copy(
            batch_hbm.at[b, pl.ds(base, _HALF)], buf_v.at[pl.ds(0, _HALF)],
            sem0,
        ).wait()
        pltpu.async_copy(
            batch_hbm.at[b, pl.ds(base + _HALF, _HALF)],
            buf_v.at[pl.ds(_HALF, _HALF)],
            sem1,
        )

        @pl.loop(0, _P)
        def _(p):
            sel = iota == ofs + p
            lo = jnp.sum(jnp.where(sel, lo_v, zero_v))
            hi = jnp.sum(jnp.where(sel, hi_v, zero_v))
            accumulate(p, jnp.minimum(lo, _HALF), jnp.minimum(hi, _HALF),
                       (zf,) * _NV)

        pltpu.make_async_copy(
            batch_hbm.at[b, pl.ds(base + _HALF, _HALF)],
            buf_v.at[pl.ds(_HALF, _HALF)],
            sem1,
        ).wait()

        @pl.loop(0, _P)
        def _(p):
            sel = iota == ofs + p
            lo = jnp.sum(jnp.where(sel, lo_v, zero_v))
            hi = jnp.sum(jnp.where(sel, hi_v, zero_v))
            accs = tuple(
                pacc_v[p, pl.ds(d0 * _LANES, _LANES)] for d0 in range(_NV)
            )
            accumulate(p, jnp.maximum(lo, _HALF), jnp.maximum(hi, _HALF),
                       accs)

        pltpu.sync_copy(pacc_v, shared_v.at[sid])
        plsc.subcore_barrier()

        pltpu.sync_copy(
            shared_v.at[pl.ds(4 * bm, 4), pl.ds(p0f, 2)], fin4_v
        )
        for i in range(2):
            p = p0f + i
            n = jnp.sum(jnp.where(iota == ofs + p, n_v, zero_v))
            denom = jnp.maximum(n, 1).astype(jnp.float32)
            empty = n == 0
            neg1 = jnp.full((_LANES,), -1.0, jnp.float32)
            for d0 in range(_NV):
                sl = pl.ds(d0 * _LANES, _LANES)
                tot = (fin4_v[0, i, sl] + fin4_v[1, i, sl]
                       + fin4_v[2, i, sl] + fin4_v[3, i, sl])
                fin_v[i, sl] = jnp.where(empty, neg1, tot / denom)
            pltpu.async_copy(fin_v.at[i], out_hbm.at[b, p], osem)

        for i in range(2):
            pltpu.make_async_copy(
                fin_v.at[i], out_hbm.at[b, p0f + i], osem
            ).wait()

    return k(batch, lens_flat)


def kernel(batch, patch_lengths):
    return _sc_patch_pool(batch, jnp.reshape(patch_lengths, (_B * _P,)))

# --- scband reference (transcript-rebuilt; emitter-appended) ---
"""Pipeline reference for scband-patch-pooling-32469952758228 (READ-ONLY COPY).

The authoritative reference and input builder live on the scoring server;
editing this copy changes nothing except your own understanding.
"""

import jax, jax.numpy as jnp
import numpy as np

B, S, D, P = 8, 2048, 128, 8

def setup_inputs(seed: int = 0) -> dict:
    key = jax.random.key(seed)
    k1, k2 = jax.random.split(key)
    batch = jax.random.normal(k1, (B, S, D), dtype=jnp.float32)
    patch_lengths = jax.random.randint(k2, (B, P), 0, 512, dtype=jnp.int32)
    return {"batch": batch, "patch_lengths": patch_lengths}

def reference(batch, patch_lengths):
    B_, S_, D_ = batch.shape
    B1, P_ = patch_lengths.shape
    assert B_ == B1
    batch_to_od = jnp.cumsum(patch_lengths, axis=-1)  # [B, P] int
    # torch.hstack([zeros(B,1) float, int cumsum]) promotes to float32
    batch_from_od = jnp.concatenate(
        [jnp.zeros((B_, 1), dtype=jnp.float32), batch_to_od.astype(jnp.float32)], axis=1
    )[:, :P_]
    # thresh: arange(S).reshape(-1,1) tiled to (P, B, S, D)
    thresh = jnp.tile(jnp.arange(S_).reshape(-1, 1), (P_, B_, 1, D_))
    mask = thresh < batch_to_od[:, :, None, None]
    mask = mask & (thresh >= batch_from_od[:, :, None, None])
    # repeat_interleave along dim 0 then reshape to (P, B, S, D)
    patch_pool = jnp.repeat(batch, P_, axis=0).reshape(P_, B_, S_, D_)
    patch_pool = jnp.where(mask, patch_pool, 0.0)
    patch_pool = jnp.sum(patch_pool, axis=2)  # (P, B, D)
    divisor = jnp.sum(mask, axis=2)  # (P, B, D) int
    patch_pool = jnp.where(divisor == 0, -1.0, patch_pool)
    divisor = jnp.where(divisor == 0, 1, divisor)
    patch_pool = patch_pool / divisor
    return patch_pool

if __name__ == "__main__":
    import jax
    _d = setup_inputs()
    print(jax.jit(kernel)(*tuple(_d.values())))

</pallas_src>

<mosaic_0001>
#map = affine_map<(d0, d1) -> (0, 0, 0)>
#map1 = affine_map<(d0, d1) -> (0)>
module attributes {stable_mosaic.version = 14 : i64} {
  func.func @k(%arg0: i32, %arg1: i32, %arg2: memref<8x2048x128xf32, #tpu.memory_space<hbm>>, %arg3: memref<64xi32, #tpu.memory_space<hbm>>, %arg4: memref<8x8x128xf32, #tpu.memory_space<hbm>>, %arg5: memref<16xi32, #tpu.memory_space<vmem>>, %arg6: memref<512x128xf32, #tpu.memory_space<vmem>>, %arg7: memref<8x128xf32, #tpu.memory_space<vmem>>, %arg8: memref<4x2x128xf32, #tpu.memory_space<vmem>>, %arg9: memref<2x128xf32, #tpu.memory_space<vmem>>, %arg10: memref<16x8x128xf32, #tpu.memory_space<vmem_shared>>, %arg11: memref<!tpu.dma_semaphore, #tpu.memory_space<semaphore_mem>>, %arg12: memref<!tpu.dma_semaphore, #tpu.memory_space<semaphore_mem>>, %arg13: memref<!tpu.dma_semaphore, #tpu.memory_space<semaphore_mem>>, %arg14: memref<!tpu.dma_semaphore, #tpu.memory_space<semaphore_mem>>) attributes {dimension_semantics = [#tpu.dimension_semantics<core_parallel>, #tpu.dimension_semantics<subcore_parallel>], iteration_bounds = array<i64: 2, 16>, scalar_prefetch = 0 : i64, scratch_operands = 10 : i64, tpu.core_type = #tpu.core_type<sc_vector_subcore>, window_params = [{transform_indices = #map}, {transform_indices = #map1}, {transform_indices = #map}]} {
    %mul3A = arith.constant 4 : i32
    %mul3A_0 = arith.muli %arg0, %mul3A : i32
    %jit3A = arith.constant 4 : i32
    %div3A = arith.divsi %arg1, %jit3A : i32
    %sign3A = arith.constant 0 : i32
    %sign3A_1 = arith.cmpi sgt, %arg1, %sign3A : i32
    %sign3A_2 = arith.extui %sign3A_1 : i1 to i32
    %sign3A_3 = arith.constant 0 : i32
    %sign3A_4 = arith.cmpi slt, %arg1, %sign3A_3 : i32
    %sign3A_5 = arith.extui %sign3A_4 : i1 to i32
    %sign3A_6 = arith.subi %sign3A_2, %sign3A_5 : i32
    %sign3A_7 = arith.constant 0 : i32
    %sign3A_8 = arith.cmpi sgt, %jit3A, %sign3A_7 : i32
    %sign3A_9 = arith.extui %sign3A_8 : i1 to i32
    %sign3A_10 = arith.constant 0 : i32
    %sign3A_11 = arith.cmpi slt, %jit3A, %sign3A_10 : i32
    %sign3A_12 = arith.extui %sign3A_11 : i1 to i32
    %sign3A_13 = arith.subi %sign3A_9, %sign3A_12 : i32
    %ne3A = arith.cmpi ne, %sign3A_6, %sign3A_13 : i32
    %rem3A = arith.remsi %arg1, %jit3A : i32
    %ne3A_14 = arith.constant 0 : i32
    %ne3A_15 = arith.cmpi ne, %rem3A, %ne3A_14 : i32
    %and3A = arith.andi %ne3A, %ne3A_15 : i1
    %sub3A = arith.constant 1 : i32
    %sub3A_16 = arith.subi %div3A, %sub3A : i32
    %select_n3A = arith.select %and3A, %sub3A_16, %div3A : i32
    %add3A = arith.addi %mul3A_0, %select_n3A : i32
    %jit3A_17 = arith.constant 4 : i32
    %eq3A = arith.constant 0 : i32
    %eq3A_18 = arith.cmpi eq, %jit3A_17, %eq3A : i32
    %jit3A_19 = arith.constant 1 : i32
    %select_n3A_20 = arith.select %eq3A_18, %jit3A_19, %jit3A_17 : i32
    %rem3A_21 = arith.remsi %add3A, %select_n3A_20 : i32
    %ne3A_22 = arith.constant 0 : i32
    %ne3A_23 = arith.cmpi ne, %rem3A_21, %ne3A_22 : i32
    %lt3A = arith.constant 0 : i32
    %lt3A_24 = arith.cmpi slt, %rem3A_21, %lt3A : i32
    %lt3A_25 = arith.constant 0 : i32
    %lt3A_26 = arith.cmpi slt, %select_n3A_20, %lt3A_25 : i32
    %ne3A_27 = arith.xori %lt3A_24, %lt3A_26 : i1
    %and3A_28 = arith.andi %ne3A_27, %ne3A_23 : i1
    %add3A_29 = arith.addi %rem3A_21, %select_n3A_20 : i32
    %select_n3A_30 = arith.select %and3A_28, %add3A_29, %rem3A_21 : i32
    %jit3A_31 = arith.constant 4 : i32
    %eq3A_32 = arith.constant 0 : i32
    %eq3A_33 = arith.cmpi eq, %jit3A_31, %eq3A_32 : i32
    %jit3A_34 = arith.constant 1 : i32
    %select_n3A_35 = arith.select %eq3A_33, %jit3A_34, %jit3A_31 : i32
    %rem3A_36 = arith.remsi %arg1, %select_n3A_35 : i32
    %ne3A_37 = arith.constant 0 : i32
    %ne3A_38 = arith.cmpi ne, %rem3A_36, %ne3A_37 : i32
    %lt3A_39 = arith.constant 0 : i32
    %lt3A_40 = arith.cmpi slt, %rem3A_36, %lt3A_39 : i32
    %lt3A_41 = arith.constant 0 : i32
    %lt3A_42 = arith.cmpi slt, %select_n3A_35, %lt3A_41 : i32
    %ne3A_43 = arith.xori %lt3A_40, %lt3A_42 : i1
    %and3A_44 = arith.andi %ne3A_43, %ne3A_38 : i1
    %add3A_45 = arith.addi %rem3A_36, %select_n3A_35 : i32
    %select_n3A_46 = arith.select %and3A_44, %add3A_45, %rem3A_36 : i32
    %mul3A_47 = arith.constant 512 : i32
    %mul3A_48 = arith.muli %select_n3A_46, %mul3A_47 : i32
    %jit3A_49 = arith.constant 4 : i32
    %eq3A_50 = arith.constant 0 : i32
    %eq3A_51 = arith.cmpi eq, %jit3A_49, %eq3A_50 : i32
    %jit3A_52 = arith.constant 1 : i32
    %select_n3A_53 = arith.select %eq3A_51, %jit3A_52, %jit3A_49 : i32
    %rem3A_54 = arith.remsi %arg1, %select_n3A_53 : i32
    %ne3A_55 = arith.constant 0 : i32
    %ne3A_56 = arith.cmpi ne, %rem3A_54, %ne3A_55 : i32
    %lt3A_57 = arith.constant 0 : i32
    %lt3A_58 = arith.cmpi slt, %rem3A_54, %lt3A_57 : i32
    %lt3A_59 = arith.constant 0 : i32
    %lt3A_60 = arith.cmpi slt, %select_n3A_53, %lt3A_59 : i32
    %ne3A_61 = arith.xori %lt3A_58, %lt3A_60 : i1
    %and3A_62 = arith.andi %ne3A_61, %ne3A_56 : i1
    %add3A_63 = arith.addi %rem3A_54, %select_n3A_53 : i32
    %select_n3A_64 = arith.select %and3A_62, %add3A_63, %rem3A_54 : i32
    %mul3A_65 = arith.constant 2 : i32
    %mul3A_66 = arith.muli %mul3A_65, %select_n3A_64 : i32
    %mul3A_67 = arith.constant 8 : i32
    %mul3A_68 = arith.muli %mul3A_67, %add3A : i32
    %min3A = arith.constant 48 : i32
    %min3A_69 = arith.minsi %mul3A_68, %min3A : i32
    %dma_start3A = tpu.memref_slice %arg3[%min3A_69] : memref<64xi32, #tpu.memory_space<hbm>> -> memref<16xi32, #tpu.memory_space<hbm>>
    %dma_start3A_70 = tpu.memref_slice %arg3[%min3A_69] : memref<64xi32, #tpu.memory_space<hbm>> -> memref<16xi32, #tpu.memory_space<hbm>>
    tpu.enqueue_dma source(%dma_start3A_70 : memref<16xi32, #tpu.memory_space<hbm>>) target(%arg5 : memref<16xi32, #tpu.memory_space<vmem>>) target_semaphore(%arg11 : memref<!tpu.dma_semaphore, #tpu.memory_space<semaphore_mem>>)
    %dma_start3A_71 = arith.constant 0 : i32
    %dma_start3A_72 = arith.constant 0 : i32
    %dma_start3A_73 = tpu.memref_slice %arg6[%dma_start3A_71, %dma_start3A_72] : memref<512x128xf32, #tpu.memory_space<vmem>> -> memref<256x128xf32, #tpu.memory_space<vmem>>
    %dma_start3A_74 = arith.constant 0 : i32
    %dma_start3A_75 = tpu.memref_slice %arg2[%add3A, %mul3A_48, %dma_start3A_74] : memref<8x2048x128xf32, #tpu.memory_space<hbm>> -> memref<1x256x128xf32, #tpu.memory_space<hbm>>
    %dma_start3A_76 = tpu.memref_squeeze %dma_start3A_75 : memref<1x256x128xf32, #tpu.memory_space<hbm>> -> memref<256x128xf32, #tpu.memory_space<hbm>>
    %dma_start3A_77 = arith.constant 0 : i32
    %dma_start3A_78 = arith.constant 0 : i32
    %dma_start3A_79 = tpu.memref_slice %arg6[%dma_start3A_77, %dma_start3A_78] : memref<512x128xf32, #tpu.memory_space<vmem>> -> memref<256x128xf32, #tpu.memory_space<vmem>>
    %dma_start3A_80 = arith.constant 0 : i32
    %dma_start3A_81 = tpu.memref_slice %arg2[%add3A, %mul3A_48, %dma_start3A_80] : memref<8x2048x128xf32, #tpu.memory_space<hbm>> -> memref<1x256x128xf32, #tpu.memory_space<hbm>>
    %dma_start3A_82 = tpu.memref_squeeze %dma_start3A_81 : memref<1x256x128xf32, #tpu.memory_space<hbm>> -> memref<256x128xf32, #tpu.memory_space<hbm>>
    tpu.enqueue_dma source(%dma_start3A_82 : memref<256x128xf32, #tpu.memory_space<hbm>>) target(%dma_start3A_79 : memref<256x128xf32, #tpu.memory_space<vmem>>) target_semaphore(%arg12 : memref<!tpu.dma_semaphore, #tpu.memory_space<semaphore_mem>>)
    %dma_wait3A = tpu.memref_slice %arg3[%min3A_69] : memref<64xi32, #tpu.memory_space<hbm>> -> memref<16xi32, #tpu.memory_space<hbm>>
    %dma_wait3A_83 = tpu.memref_slice %arg3[%min3A_69] : memref<64xi32, #tpu.memory_space<hbm>> -> memref<16xi32, #tpu.memory_space<hbm>>
    tpu.wait_dma2 semaphore(%arg11 : memref<!tpu.dma_semaphore, #tpu.memory_space<semaphore_mem>>) src(%dma_wait3A_83 : memref<16xi32, #tpu.memory_space<hbm>>) dst(%arg5 : memref<16xi32, #tpu.memory_space<vmem>>)
    %iota3A = tpu.iota {dimensions = array<i32: 0>} : vector<16xi32>
    %broadcast_in_dim3A = arith.constant 0 : i32
    %broadcast_in_dim3A_84 = vector.broadcast %broadcast_in_dim3A : i32 to vector<16xi32>
    %broadcast_in_dim3A_85 = arith.constant 0.000000e+00 : f32
    %broadcast_in_dim3A_86 = vector.broadcast %broadcast_in_dim3A_85 : f32 to vector<16xf32>
    %get3A = arith.constant 0 : index
    %get3A_87 = tpu.vector_load %arg5[%get3A] {strides = array<i32>} : memref<16xi32, #tpu.memory_space<vmem>>, vector<16xi32>,
    %broadcast_in_dim3A_88 = arith.constant true
    %broadcast_in_dim3A_89 = vector.broadcast %broadcast_in_dim3A_88 : i1 to vector<16xi1>
    %masked_cumsum3A = tpu.scan <sum>, %get3A_87 masked %broadcast_in_dim3A_89 : vector<16xi32>, vector<16xi1> -> vector<16xi32>
    %mul3A_90 = arith.constant 8 : i32
    %mul3A_91 = arith.muli %mul3A_90, %add3A : i32
    %sub3A_92 = arith.subi %mul3A_91, %min3A_69 : i32
    %gt3A = arith.constant 0 : i32
    %gt3A_93 = arith.cmpi sgt, %sub3A_92, %gt3A : i32
    %eq3A_94 = arith.constant 7 : i32
    %eq3A_95 = vector.broadcast %eq3A_94 : i32 to vector<16xi32>
    %eq3A_96 = arith.cmpi eq, %iota3A, %eq3A_95 : vector<16xi32>
    %select_n3A_97 = arith.select %eq3A_96, %masked_cumsum3A, %broadcast_in_dim3A_84 : vector<16xi1>, vector<16xi32>
    %reduce_sum3A = arith.constant true
    %reduce_sum3A_98 = vector.broadcast %reduce_sum3A : i1 to vector<16xi1>
    %reduce_sum3A_99 = tpu.scan <sum>, %select_n3A_97 masked %reduce_sum3A_98 : vector<16xi32>, vector<16xi1> -> vector<16xi32>
    %reduce_sum3A_100 = vector.extract %reduce_sum3A_99[15] : i32 from vector<16xi32>
    %jit3A_101 = arith.constant 0 : i32
    %select_n3A_102 = arith.select %gt3A_93, %reduce_sum3A_100, %jit3A_101 : i32
    %sub3A_103 = vector.broadcast %select_n3A_102 : i32 to vector<16xi32>
    %sub3A_104 = arith.subi %masked_cumsum3A, %sub3A_103 : vector<16xi32>
    %sub3A_105 = arith.subi %sub3A_104, %get3A_87 : vector<16xi32>
    %min3A_106 = arith.constant 2048 : i32
    %min3A_107 = vector.broadcast %min3A_106 : i32 to vector<16xi32>
    %min3A_108 = arith.minsi %sub3A_104, %min3A_107 : vector<16xi32>
    %min3A_109 = arith.constant 2048 : i32
    %min3A_110 = vector.broadcast %min3A_109 : i32 to vector<16xi32>
    %min3A_111 = arith.minsi %sub3A_105, %min3A_110 : vector<16xi32>
    %sub3A_112 = arith.subi %min3A_108, %min3A_111 : vector<16xi32>
    %sub3A_113 = vector.broadcast %mul3A_48 : i32 to vector<16xi32>
    %sub3A_114 = arith.subi %min3A_111, %sub3A_113 : vector<16xi32>
    %jit3A_115 = arith.constant 0 : i32
    %jit3A_116 = arith.constant 512 : i32
    %max3A = vector.broadcast %jit3A_115 : i32 to vector<16xi32>
    %max3A_117 = arith.maxsi %max3A, %sub3A_114 : vector<16xi32>
    %min3A_118 = vector.broadcast %jit3A_116 : i32 to vector<16xi32>
    %min3A_119 = arith.minsi %min3A_118, %max3A_117 : vector<16xi32>
    %sub3A_120 = vector.broadcast %mul3A_48 : i32 to vector<16xi32>
    %sub3A_121 = arith.subi %min3A_108, %sub3A_120 : vector<16xi32>
    %jit3A_122 = arith.constant 0 : i32
    %jit3A_123 = arith.constant 512 : i32
    %max3A_124 = vector.broadcast %jit3A_122 : i32 to vector<16xi32>
    %max3A_125 = arith.maxsi %max3A_124, %sub3A_121 : vector<16xi32>
    %min3A_126 = vector.broadcast %jit3A_123 : i32 to vector<16xi32>
    %min3A_127 = arith.minsi %min3A_126, %max3A_125 : vector<16xi32>
    %dma_wait3A_128 = arith.constant 0 : i32
    %dma_wait3A_129 = arith.constant 0 : i32
    %dma_wait3A_130 = tpu.memref_slice %arg6[%dma_wait3A_128, %dma_wait3A_129] : memref<512x128xf32, #tpu.memory_space<vmem>> -> memref<256x128xf32, #tpu.memory_space<vmem>>
    %dma_wait3A_131 = arith.constant 0 : i32
    %dma_wait3A_132 = tpu.memref_slice %arg2[%add3A, %mul3A_48, %dma_wait3A_131] : memref<8x2048x128xf32, #tpu.memory_space<hbm>> -> memref<1x256x128xf32, #tpu.memory_space<hbm>>
    %dma_wait3A_133 = tpu.memref_squeeze %dma_wait3A_132 : memref<1x256x128xf32, #tpu.memory_space<hbm>> -> memref<256x128xf32, #tpu.memory_space<hbm>>
    %dma_wait3A_134 = arith.constant 0 : i32
    %dma_wait3A_135 = arith.constant 0 : i32
    %dma_wait3A_136 = tpu.memref_slice %arg6[%dma_wait3A_134, %dma_wait3A_135] : memref<512x128xf32, #tpu.memory_space<vmem>> -> memref<256x128xf32, #tpu.memory_space<vmem>>
    %dma_wait3A_137 = arith.constant 0 : i32
    %dma_wait3A_138 = tpu.memref_slice %arg2[%add3A, %mul3A_48, %dma_wait3A_137] : memref<8x2048x128xf32, #tpu.memory_space<hbm>> -> memref<1x256x128xf32, #tpu.memory_space<hbm>>
    %dma_wait3A_139 = tpu.memref_squeeze %dma_wait3A_138 : memref<1x256x128xf32, #tpu.memory_space<hbm>> -> memref<256x128xf32, #tpu.memory_space<hbm>>
    tpu.wait_dma2 semaphore(%arg12 : memref<!tpu.dma_semaphore, #tpu.memory_space<semaphore_mem>>) src(%dma_wait3A_139 : memref<256x128xf32, #tpu.memory_space<hbm>>) dst(%dma_wait3A_136 : memref<256x128xf32, #tpu.memory_space<vmem>>)
    %add3A_140 = arith.constant 256 : i32
    %add3A_141 = arith.addi %mul3A_48, %add3A_140 : i32
    %dma_start3A_142 = arith.constant 256 : i32
    %dma_start3A_143 = arith.constant 0 : i32
    %dma_start3A_144 = tpu.memref_slice %arg6[%dma_start3A_142, %dma_start3A_143] : memref<512x128xf32, #tpu.memory_space<vmem>> -> memref<256x128xf32, #tpu.memory_space<vmem>>
    %dma_start3A_145 = arith.constant 0 : i32
    %dma_start3A_146 = tpu.memref_slice %arg2[%add3A, %add3A_141, %dma_start3A_145] : memref<8x2048x128xf32, #tpu.memory_space<hbm>> -> memref<1x256x128xf32, #tpu.memory_space<hbm>>
    %dma_start3A_147 = tpu.memref_squeeze %dma_start3A_146 : memref<1x256x128xf32, #tpu.memory_space<hbm>> -> memref<256x128xf32, #tpu.memory_space<hbm>>
    %dma_start3A_148 = arith.constant 256 : i32
    %dma_start3A_149 = arith.constant 0 : i32
    %dma_start3A_150 = tpu.memref_slice %arg6[%dma_start3A_148, %dma_start3A_149] : memref<512x128xf32, #tpu.memory_space<vmem>> -> memref<256x128xf32, #tpu.memory_space<vmem>>
    %dma_start3A_151 = arith.constant 0 : i32
    %dma_start3A_152 = tpu.memref_slice %arg2[%add3A, %add3A_141, %dma_start3A_151] : memref<8x2048x128xf32, #tpu.memory_space<hbm>> -> memref<1x256x128xf32, #tpu.memory_space<hbm>>
    %dma_start3A_153 = tpu.memref_squeeze %dma_start3A_152 : memref<1x256x128xf32, #tpu.memory_space<hbm>> -> memref<256x128xf32, #tpu.memory_space<hbm>>
    tpu.enqueue_dma source(%dma_start3A_153 : memref<256x128xf32, #tpu.memory_space<hbm>>) target(%dma_start3A_150 : memref<256x128xf32, #tpu.memory_space<vmem>>) target_semaphore(%arg13 : memref<!tpu.dma_semaphore, #tpu.memory_space<semaphore_mem>>)
    %scan3A = arith.constant 0 : i32
    %scan3A_154 = arith.constant 8 : i32
    %scan3A_155 = arith.addi %scan3A, %scan3A_154 : i32
    %scan3A_156 = arith.constant 1 : i32
    scf.for %scan3A_811 = %scan3A to %scan3A_155 step %scan3A_156  : i32 {
      %mul3A_812 = arith.constant 1 : i32
      %mul3A_813 = arith.muli %scan3A_811, %mul3A_812 : i32
      %add3A_814 = arith.constant 0 : i32
      %add3A_815 = arith.addi %add3A_814, %mul3A_813 : i32
      %add3A_816 = arith.addi %sub3A_92, %add3A_815 : i32
      %eq3A_817 = vector.broadcast %add3A_816 : i32 to vector<16xi32>
      %eq3A_818 = arith.cmpi eq, %iota3A, %eq3A_817 : vector<16xi32>
      %select_n3A_819 = arith.select %eq3A_818, %min3A_119, %broadcast_in_dim3A_84 : vector<16xi1>, vector<16xi32>
      %reduce_sum3A_820 = arith.constant true
      %reduce_sum3A_821 = vector.broadcast %reduce_sum3A_820 : i1 to vector<16xi1>
      %reduce_sum3A_822 = tpu.scan <sum>, %select_n3A_819 masked %reduce_sum3A_821 : vector<16xi32>, vector<16xi1> -> vector<16xi32>
      %reduce_sum3A_823 = vector.extract %reduce_sum3A_822[15] : i32 from vector<16xi32>
      %select_n3A_824 = arith.select %eq3A_818, %min3A_127, %broadcast_in_dim3A_84 : vector<16xi1>, vector<16xi32>
      %reduce_sum3A_825 = arith.constant true
      %reduce_sum3A_826 = vector.broadcast %reduce_sum3A_825 : i1 to vector<16xi1>
      %reduce_sum3A_827 = tpu.scan <sum>, %select_n3A_824 masked %reduce_sum3A_826 : vector<16xi32>, vector<16xi1> -> vector<16xi32>
      %reduce_sum3A_828 = vector.extract %reduce_sum3A_827[15] : i32 from vector<16xi32>
      %min3A_829 = arith.constant 256 : i32
      %min3A_830 = arith.minsi %reduce_sum3A_823, %min3A_829 : i32
      %min3A_831 = arith.constant 256 : i32
      %min3A_832 = arith.minsi %reduce_sum3A_828, %min3A_831 : i32
      %parallel_loop3A = arith.constant 1 : i32
      %parallel_loop3A_833:8 = scf.for %parallel_loop3A_858 = %min3A_830 to %min3A_832 step %parallel_loop3A iter_args(%parallel_loop3A_859 = %broadcast_in_dim3A_86, %parallel_loop3A_860 = %broadcast_in_dim3A_86, %parallel_loop3A_861 = %broadcast_in_dim3A_86, %parallel_loop3A_862 = %broadcast_in_dim3A_86, %parallel_loop3A_863 = %broadcast_in_dim3A_86, %parallel_loop3A_864 = %broadcast_in_dim3A_86, %parallel_loop3A_865 = %broadcast_in_dim3A_86, %parallel_loop3A_866 = %broadcast_in_dim3A_86) -> (vector<16xf32>, vector<16xf32>, vector<16xf32>, vector<16xf32>, vector<16xf32>, vector<16xf32>, vector<16xf32>, vector<16xf32>)  : i32 {
        %parallel_loop3A_867 = arith.index_cast %parallel_loop3A_858 : i32 to index
        %parallel_loop3A_868 = arith.constant 0 : index
        %parallel_loop3A_869 = tpu.vector_load %arg6[%parallel_loop3A_867, %parallel_loop3A_868] {strides = array<i32>} : memref<512x128xf32, #tpu.memory_space<vmem>>, vector<16xf32>,
        %parallel_loop3A_870 = arith.addf %parallel_loop3A_859, %parallel_loop3A_869 : vector<16xf32>
        %parallel_loop3A_871 = arith.index_cast %parallel_loop3A_858 : i32 to index
        %parallel_loop3A_872 = arith.constant 16 : index
        %parallel_loop3A_873 = tpu.vector_load %arg6[%parallel_loop3A_871, %parallel_loop3A_872] {strides = array<i32>} : memref<512x128xf32, #tpu.memory_space<vmem>>, vector<16xf32>,
        %parallel_loop3A_874 = arith.addf %parallel_loop3A_860, %parallel_loop3A_873 : vector<16xf32>
        %parallel_loop3A_875 = arith.index_cast %parallel_loop3A_858 : i32 to index
        %parallel_loop3A_876 = arith.constant 32 : index
        %parallel_loop3A_877 = tpu.vector_load %arg6[%parallel_loop3A_875, %parallel_loop3A_876] {strides = array<i32>} : memref<512x128xf32, #tpu.memory_space<vmem>>, vector<16xf32>,
        %parallel_loop3A_878 = arith.addf %parallel_loop3A_861, %parallel_loop3A_877 : vector<16xf32>
        %parallel_loop3A_879 = arith.index_cast %parallel_loop3A_858 : i32 to index
        %parallel_loop3A_880 = arith.constant 48 : index
        %parallel_loop3A_881 = tpu.vector_load %arg6[%parallel_loop3A_879, %parallel_loop3A_880] {strides = array<i32>} : memref<512x128xf32, #tpu.memory_space<vmem>>, vector<16xf32>,
        %parallel_loop3A_882 = arith.addf %parallel_loop3A_862, %parallel_loop3A_881 : vector<16xf32>
        %parallel_loop3A_883 = arith.index_cast %parallel_loop3A_858 : i32 to index
        %parallel_loop3A_884 = arith.constant 64 : index
        %parallel_loop3A_885 = tpu.vector_load %arg6[%parallel_loop3A_883, %parallel_loop3A_884] {strides = array<i32>} : memref<512x128xf32, #tpu.memory_space<vmem>>, vector<16xf32>,
        %parallel_loop3A_886 = arith.addf %parallel_loop3A_863, %parallel_loop3A_885 : vector<16xf32>
        %parallel_loop3A_887 = arith.index_cast %parallel_loop3A_858 : i32 to index
        %parallel_loop3A_888 = arith.constant 80 : index
        %parallel_loop3A_889 = tpu.vector_load %arg6[%parallel_loop3A_887, %parallel_loop3A_888] {strides = array<i32>} : memref<512x128xf32, #tpu.memory_space<vmem>>, vector<16xf32>,
        %parallel_loop3A_890 = arith.addf %parallel_loop3A_864, %parallel_loop3A_889 : vector<16xf32>
        %parallel_loop3A_891 = arith.index_cast %parallel_loop3A_858 : i32 to index
        %parallel_loop3A_892 = arith.constant 96 : index
        %parallel_loop3A_893 = tpu.vector_load %arg6[%parallel_loop3A_891, %parallel_loop3A_892] {strides = array<i32>} : memref<512x128xf32, #tpu.memory_space<vmem>>, vector<16xf32>,
        %parallel_loop3A_894 = arith.addf %parallel_loop3A_865, %parallel_loop3A_893 : vector<16xf32>
        %parallel_loop3A_895 = arith.index_cast %parallel_loop3A_858 : i32 to index
        %parallel_loop3A_896 = arith.constant 112 : index
        %parallel_loop3A_897 = tpu.vector_load %arg6[%parallel_loop3A_895, %parallel_loop3A_896] {strides = array<i32>} : memref<512x128xf32, #tpu.memory_space<vmem>>, vector<16xf32>,
        %parallel_loop3A_898 = arith.addf %parallel_loop3A_866, %parallel_loop3A_897 : vector<16xf32>
        scf.yield %parallel_loop3A_870, %parallel_loop3A_874, %parallel_loop3A_878, %parallel_loop3A_882, %parallel_loop3A_886, %parallel_loop3A_890, %parallel_loop3A_894, %parallel_loop3A_898 : vector<16xf32>, vector<16xf32>, vector<16xf32>, vector<16xf32>, vector<16xf32>, vector<16xf32>, vector<16xf32>, vector<16xf32>
      } {sc.loop_unroll_factor = 8 : i64, sc.parallel_access}
      %swap3A_834 = arith.index_cast %add3A_815 : i32 to index
      %swap3A_835 = arith.constant 0 : index
      %swap3A_836 = tpu.vector_load %arg7[%swap3A_834, %swap3A_835] {strides = array<i32>} : memref<8x128xf32, #tpu.memory_space<vmem>>, vector<16xf32>,
      tpu.vector_store %arg7[%swap3A_834, %swap3A_835], %parallel_loop3A_833#0 {strides = array<i32>} : memref<8x128xf32, #tpu.memory_space<vmem>>, vector<16xf32>,
      %swap3A_837 = arith.index_cast %add3A_815 : i32 to index
      %swap3A_838 = arith.constant 16 : index
      %swap3A_839 = tpu.vector_load %arg7[%swap3A_837, %swap3A_838] {strides = array<i32>} : memref<8x128xf32, #tpu.memory_space<vmem>>, vector<16xf32>,
      tpu.vector_store %arg7[%swap3A_837, %swap3A_838], %parallel_loop3A_833#1 {strides = array<i32>} : memref<8x128xf32, #tpu.memory_space<vmem>>, vector<16xf32>,
      %swap3A_840 = arith.index_cast %add3A_815 : i32 to index
      %swap3A_841 = arith.constant 32 : index
      %swap3A_842 = tpu.vector_load %arg7[%swap3A_840, %swap3A_841] {strides = array<i32>} : memref<8x128xf32, #tpu.memory_space<vmem>>, vector<16xf32>,
      tpu.vector_store %arg7[%swap3A_840, %swap3A_841], %parallel_loop3A_833#2 {strides = array<i32>} : memref<8x128xf32, #tpu.memory_space<vmem>>, vector<16xf32>,
      %swap3A_843 = arith.index_cast %add3A_815 : i32 to index
      %swap3A_844 = arith.constant 48 : index
      %swap3A_845 = tpu.vector_load %arg7[%swap3A_843, %swap3A_844] {strides = array<i32>} : memref<8x128xf32, #tpu.memory_space<vmem>>, vector<16xf32>,
      tpu.vector_store %arg7[%swap3A_843, %swap3A_844], %parallel_loop3A_833#3 {strides = array<i32>} : memref<8x128xf32, #tpu.memory_space<vmem>>, vector<16xf32>,
      %swap3A_846 = arith.index_cast %add3A_815 : i32 to index
      %swap3A_847 = arith.constant 64 : index
      %swap3A_848 = tpu.vector_load %arg7[%swap3A_846, %swap3A_847] {strides = array<i32>} : memref<8x128xf32, #tpu.memory_space<vmem>>, vector<16xf32>,
      tpu.vector_store %arg7[%swap3A_846, %swap3A_847], %parallel_loop3A_833#4 {strides = array<i32>} : memref<8x128xf32, #tpu.memory_space<vmem>>, vector<16xf32>,
      %swap3A_849 = arith.index_cast %add3A_815 : i32 to index
      %swap3A_850 = arith.constant 80 : index
      %swap3A_851 = tpu.vector_load %arg7[%swap3A_849, %swap3A_850] {strides = array<i32>} : memref<8x128xf32, #tpu.memory_space<vmem>>, vector<16xf32>,
      tpu.vector_store %arg7[%swap3A_849, %swap3A_850], %parallel_loop3A_833#5 {strides = array<i32>} : memref<8x128xf32, #tpu.memory_space<vmem>>, vector<16xf32>,
      %swap3A_852 = arith.index_cast %add3A_815 : i32 to index
      %swap3A_853 = arith.constant 96 : index
      %swap3A_854 = tpu.vector_load %arg7[%swap3A_852, %swap3A_853] {strides = array<i32>} : memref<8x128xf32, #tpu.memory_space<vmem>>, vector<16xf32>,
      tpu.vector_store %arg7[%swap3A_852, %swap3A_853], %parallel_loop3A_833#6 {strides = array<i32>} : memref<8x128xf32, #tpu.memory_space<vmem>>, vector<16xf32>,
      %swap3A_855 = arith.index_cast %add3A_815 : i32 to index
      %swap3A_856 = arith.constant 112 : index
      %swap3A_857 = tpu.vector_load %arg7[%swap3A_855, %swap3A_856] {strides = array<i32>} : memref<8x128xf32, #tpu.memory_space<vmem>>, vector<16xf32>,
      tpu.vector_store %arg7[%swap3A_855, %swap3A_856], %parallel_loop3A_833#7 {strides = array<i32>} : memref<8x128xf32, #tpu.memory_space<vmem>>, vector<16xf32>,
    }
    %scan3A_157 = arith.constant 8 : i32
    %add3A_158 = arith.constant 256 : i32
    %add3A_159 = arith.addi %mul3A_48, %add3A_158 : i32
    %dma_wait3A_160 = arith.constant 256 : i32
    %dma_wait3A_161 = arith.constant 0 : i32
    %dma_wait3A_162 = tpu.memref_slice %arg6[%dma_wait3A_160, %dma_wait3A_161] : memref<512x128xf32, #tpu.memory_space<vmem>> -> memref<256x128xf32, #tpu.memory_space<vmem>>
    %dma_wait3A_163 = arith.constant 0 : i32
    %dma_wait3A_164 = tpu.memref_slice %arg2[%add3A, %add3A_159, %dma_wait3A_163] : memref<8x2048x128xf32, #tpu.memory_space<hbm>> -> memref<1x256x128xf32, #tpu.memory_space<hbm>>
    %dma_wait3A_165 = tpu.memref_squeeze %dma_wait3A_164 : memref<1x256x128xf32, #tpu.memory_space<hbm>> -> memref<256x128xf32, #tpu.memory_space<hbm>>
    %dma_wait3A_166 = arith.constant 256 : i32
    %dma_wait3A_167 = arith.constant 0 : i32
    %dma_wait3A_168 = tpu.memref_slice %arg6[%dma_wait3A_166, %dma_wait3A_167] : memref<512x128xf32, #tpu.memory_space<vmem>> -> memref<256x128xf32, #tpu.memory_space<vmem>>
    %dma_wait3A_169 = arith.constant 0 : i32
    %dma_wait3A_170 = tpu.memref_slice %arg2[%add3A, %add3A_159, %dma_wait3A_169] : memref<8x2048x128xf32, #tpu.memory_space<hbm>> -> memref<1x256x128xf32, #tpu.memory_space<hbm>>
    %dma_wait3A_171 = tpu.memref_squeeze %dma_wait3A_170 : memref<1x256x128xf32, #tpu.memory_space<hbm>> -> memref<256x128xf32, #tpu.memory_space<hbm>>
    tpu.wait_dma2 semaphore(%arg13 : memref<!tpu.dma_semaphore, #tpu.memory_space<semaphore_mem>>) src(%dma_wait3A_171 : memref<256x128xf32, #tpu.memory_space<hbm>>) dst(%dma_wait3A_168 : memref<256x128xf32, #tpu.memory_space<vmem>>)
    %scan3A_172 = arith.constant 0 : i32
    %scan3A_173 = arith.constant 8 : i32
    %scan3A_174 = arith.addi %scan3A_172, %scan3A_173 : i32
    %scan3A_175 = arith.constant 1 : i32
    scf.for %scan3A_811 = %scan3A_172 to %scan3A_174 step %scan3A_175  : i32 {
      %mul3A_812 = arith.constant 1 : i32
      %mul3A_813 = arith.muli %scan3A_811, %mul3A_812 : i32
      %add3A_814 = arith.constant 0 : i32
      %add3A_815 = arith.addi %add3A_814, %mul3A_813 : i32
      %add3A_816 = arith.addi %sub3A_92, %add3A_815 : i32
      %eq3A_817 = vector.broadcast %add3A_816 : i32 to vector<16xi32>
      %eq3A_818 = arith.cmpi eq, %iota3A, %eq3A_817 : vector<16xi32>
      %select_n3A_819 = arith.select %eq3A_818, %min3A_119, %broadcast_in_dim3A_84 : vector<16xi1>, vector<16xi32>
      %reduce_sum3A_820 = arith.constant true
      %reduce_sum3A_821 = vector.broadcast %reduce_sum3A_820 : i1 to vector<16xi1>
      %reduce_sum3A_822 = tpu.scan <sum>, %select_n3A_819 masked %reduce_sum3A_821 : vector<16xi32>, vector<16xi1> -> vector<16xi32>
      %reduce_sum3A_823 = vector.extract %reduce_sum3A_822[15] : i32 from vector<16xi32>
      %select_n3A_824 = arith.select %eq3A_818, %min3A_127, %broadcast_in_dim3A_84 : vector<16xi1>, vector<16xi32>
      %reduce_sum3A_825 = arith.constant true
      %reduce_sum3A_826 = vector.broadcast %reduce_sum3A_825 : i1 to vector<16xi1>
      %reduce_sum3A_827 = tpu.scan <sum>, %select_n3A_824 masked %reduce_sum3A_826 : vector<16xi32>, vector<16xi1> -> vector<16xi32>
      %reduce_sum3A_828 = vector.extract %reduce_sum3A_827[15] : i32 from vector<16xi32>
      %get3A_829 = arith.index_cast %add3A_815 : i32 to index
      %get3A_830 = arith.constant 0 : index
      %get3A_831 = tpu.vector_load %arg7[%get3A_829, %get3A_830] {strides = array<i32>} : memref<8x128xf32, #tpu.memory_space<vmem>>, vector<16xf32>,
      %get3A_832 = arith.index_cast %add3A_815 : i32 to index
      %get3A_833 = arith.constant 16 : index
      %get3A_834 = tpu.vector_load %arg7[%get3A_832, %get3A_833] {strides = array<i32>} : memref<8x128xf32, #tpu.memory_space<vmem>>, vector<16xf32>,
      %get3A_835 = arith.index_cast %add3A_815 : i32 to index
      %get3A_836 = arith.constant 32 : index
      %get3A_837 = tpu.vector_load %arg7[%get3A_835, %get3A_836] {strides = array<i32>} : memref<8x128xf32, #tpu.memory_space<vmem>>, vector<16xf32>,
      %get3A_838 = arith.index_cast %add3A_815 : i32 to index
      %get3A_839 = arith.constant 48 : index
      %get3A_840 = tpu.vector_load %arg7[%get3A_838, %get3A_839] {strides = array<i32>} : memref<8x128xf32, #tpu.memory_space<vmem>>, vector<16xf32>,
      %get3A_841 = arith.index_cast %add3A_815 : i32 to index
      %get3A_842 = arith.constant 64 : index
      %get3A_843 = tpu.vector_load %arg7[%get3A_841, %get3A_842] {strides = array<i32>} : memref<8x128xf32, #tpu.memory_space<vmem>>, vector<16xf32>,
      %get3A_844 = arith.index_cast %add3A_815 : i32 to index
      %get3A_845 = arith.constant 80 : index
      %get3A_846 = tpu.vector_load %arg7[%get3A_844, %get3A_845] {strides = array<i32>} : memref<8x128xf32, #tpu.memory_space<vmem>>, vector<16xf32>,
      %get3A_847 = arith.index_cast %add3A_815 : i32 to index
      %get3A_848 = arith.constant 96 : index
      %get3A_849 = tpu.vector_load %arg7[%get3A_847, %get3A_848] {strides = array<i32>} : memref<8x128xf32, #tpu.memory_space<vmem>>, vector<16xf32>,
      %get3A_850 = arith.index_cast %add3A_815 : i32 to index
      %get3A_851 = arith.constant 112 : index
      %get3A_852 = tpu.vector_load %arg7[%get3A_850, %get3A_851] {strides = array<i32>} : memref<8x128xf32, #tpu.memory_space<vmem>>, vector<16xf32>,
      %max3A_853 = arith.constant 256 : i32
      %max3A_854 = arith.maxsi %reduce_sum3A_823, %max3A_853 : i32
      %max3A_855 = arith.constant 256 : i32
      %max3A_856 = arith.maxsi %reduce_sum3A_828, %max3A_855 : i32
      %parallel_loop3A = arith.constant 1 : i32
      %parallel_loop3A_857:8 = scf.for %parallel_loop3A_882 = %max3A_854 to %max3A_856 step %parallel_loop3A iter_args(%parallel_loop3A_883 = %get3A_831, %parallel_loop3A_884 = %get3A_834, %parallel_loop3A_885 = %get3A_837, %parallel_loop3A_886 = %get3A_840, %parallel_loop3A_887 = %get3A_843, %parallel_loop3A_888 = %get3A_846, %parallel_loop3A_889 = %get3A_849, %parallel_loop3A_890 = %get3A_852) -> (vector<16xf32>, vector<16xf32>, vector<16xf32>, vector<16xf32>, vector<16xf32>, vector<16xf32>, vector<16xf32>, vector<16xf32>)  : i32 {
        %parallel_loop3A_891 = arith.index_cast %parallel_loop3A_882 : i32 to index
        %parallel_loop3A_892 = arith.constant 0 : index
        %parallel_loop3A_893 = tpu.vector_load %arg6[%parallel_loop3A_891, %parallel_loop3A_892] {strides = array<i32>} : memref<512x128xf32, #tpu.memory_space<vmem>>, vector<16xf32>,
        %parallel_loop3A_894 = arith.addf %parallel_loop3A_883, %parallel_loop3A_893 : vector<16xf32>
        %parallel_loop3A_895 = arith.index_cast %parallel_loop3A_882 : i32 to index
        %parallel_loop3A_896 = arith.constant 16 : index
        %parallel_loop3A_897 = tpu.vector_load %arg6[%parallel_loop3A_895, %parallel_loop3A_896] {strides = array<i32>} : memref<512x128xf32, #tpu.memory_space<vmem>>, vector<16xf32>,
        %parallel_loop3A_898 = arith.addf %parallel_loop3A_884, %parallel_loop3A_897 : vector<16xf32>
        %parallel_loop3A_899 = arith.index_cast %parallel_loop3A_882 : i32 to index
        %parallel_loop3A_900 = arith.constant 32 : index
        %parallel_loop3A_901 = tpu.vector_load %arg6[%parallel_loop3A_899, %parallel_loop3A_900] {strides = array<i32>} : memref<512x128xf32, #tpu.memory_space<vmem>>, vector<16xf32>,
        %parallel_loop3A_902 = arith.addf %parallel_loop3A_885, %parallel_loop3A_901 : vector<16xf32>
        %parallel_loop3A_903 = arith.index_cast %parallel_loop3A_882 : i32 to index
        %parallel_loop3A_904 = arith.constant 48 : index
        %parallel_loop3A_905 = tpu.vector_load %arg6[%parallel_loop3A_903, %parallel_loop3A_904] {strides = array<i32>} : memref<512x128xf32, #tpu.memory_space<vmem>>, vector<16xf32>,
        %parallel_loop3A_906 = arith.addf %parallel_loop3A_886, %parallel_loop3A_905 : vector<16xf32>
        %parallel_loop3A_907 = arith.index_cast %parallel_loop3A_882 : i32 to index
        %parallel_loop3A_908 = arith.constant 64 : index
        %parallel_loop3A_909 = tpu.vector_load %arg6[%parallel_loop3A_907, %parallel_loop3A_908] {strides = array<i32>} : memref<512x128xf32, #tpu.memory_space<vmem>>, vector<16xf32>,
        %parallel_loop3A_910 = arith.addf %parallel_loop3A_887, %parallel_loop3A_909 : vector<16xf32>
        %parallel_loop3A_911 = arith.index_cast %parallel_loop3A_882 : i32 to index
        %parallel_loop3A_912 = arith.constant 80 : index
        %parallel_loop3A_913 = tpu.vector_load %arg6[%parallel_loop3A_911, %parallel_loop3A_912] {strides = array<i32>} : memref<512x128xf32, #tpu.memory_space<vmem>>, vector<16xf32>,
        %parallel_loop3A_914 = arith.addf %parallel_loop3A_888, %parallel_loop3A_913 : vector<16xf32>
        %parallel_loop3A_915 = arith.index_cast %parallel_loop3A_882 : i32 to index
        %parallel_loop3A_916 = arith.constant 96 : index
        %parallel_loop3A_917 = tpu.vector_load %arg6[%parallel_loop3A_915, %parallel_loop3A_916] {strides = array<i32>} : memref<512x128xf32, #tpu.memory_space<vmem>>, vector<16xf32>,
        %parallel_loop3A_918 = arith.addf %parallel_loop3A_889, %parallel_loop3A_917 : vector<16xf32>
        %parallel_loop3A_919 = arith.index_cast %parallel_loop3A_882 : i32 to index
        %parallel_loop3A_920 = arith.constant 112 : index
        %parallel_loop3A_921 = tpu.vector_load %arg6[%parallel_loop3A_919, %parallel_loop3A_920] {strides = array<i32>} : memref<512x128xf32, #tpu.memory_space<vmem>>, vector<16xf32>,
        %parallel_loop3A_922 = arith.addf %parallel_loop3A_890, %parallel_loop3A_921 : vector<16xf32>
        scf.yield %parallel_loop3A_894, %parallel_loop3A_898, %parallel_loop3A_902, %parallel_loop3A_906, %parallel_loop3A_910, %parallel_loop3A_914, %parallel_loop3A_918, %parallel_loop3A_922 : vector<16xf32>, vector<16xf32>, vector<16xf32>, vector<16xf32>, vector<16xf32>, vector<16xf32>, vector<16xf32>, vector<16xf32>
      } {sc.loop_unroll_factor = 8 : i64, sc.parallel_access}
      %swap3A_858 = arith.index_cast %add3A_815 : i32 to index
      %swap3A_859 = arith.constant 0 : index
      %swap3A_860 = tpu.vector_load %arg7[%swap3A_858, %swap3A_859] {strides = array<i32>} : memref<8x128xf32, #tpu.memory_space<vmem>>, vector<16xf32>,
      tpu.vector_store %arg7[%swap3A_858, %swap3A_859], %parallel_loop3A_857#0 {strides = array<i32>} : memref<8x128xf32, #tpu.memory_space<vmem>>, vector<16xf32>,
      %swap3A_861 = arith.index_cast %add3A_815 : i32 to index
      %swap3A_862 = arith.constant 16 : index
      %swap3A_863 = tpu.vector_load %arg7[%swap3A_861, %swap3A_862] {strides = array<i32>} : memref<8x128xf32, #tpu.memory_space<vmem>>, vector<16xf32>,
      tpu.vector_store %arg7[%swap3A_861, %swap3A_862], %parallel_loop3A_857#1 {strides = array<i32>} : memref<8x128xf32, #tpu.memory_space<vmem>>, vector<16xf32>,
      %swap3A_864 = arith.index_cast %add3A_815 : i32 to index
      %swap3A_865 = arith.constant 32 : index
      %swap3A_866 = tpu.vector_load %arg7[%swap3A_864, %swap3A_865] {strides = array<i32>} : memref<8x128xf32, #tpu.memory_space<vmem>>, vector<16xf32>,
      tpu.vector_store %arg7[%swap3A_864, %swap3A_865], %parallel_loop3A_857#2 {strides = array<i32>} : memref<8x128xf32, #tpu.memory_space<vmem>>, vector<16xf32>,
      %swap3A_867 = arith.index_cast %add3A_815 : i32 to index
      %swap3A_868 = arith.constant 48 : index
      %swap3A_869 = tpu.vector_load %arg7[%swap3A_867, %swap3A_868] {strides = array<i32>} : memref<8x128xf32, #tpu.memory_space<vmem>>, vector<16xf32>,
      tpu.vector_store %arg7[%swap3A_867, %swap3A_868], %parallel_loop3A_857#3 {strides = array<i32>} : memref<8x128xf32, #tpu.memory_space<vmem>>, vector<16xf32>,
      %swap3A_870 = arith.index_cast %add3A_815 : i32 to index
      %swap3A_871 = arith.constant 64 : index
      %swap3A_872 = tpu.vector_load %arg7[%swap3A_870, %swap3A_871] {strides = array<i32>} : memref<8x128xf32, #tpu.memory_space<vmem>>, vector<16xf32>,
      tpu.vector_store %arg7[%swap3A_870, %swap3A_871], %parallel_loop3A_857#4 {strides = array<i32>} : memref<8x128xf32, #tpu.memory_space<vmem>>, vector<16xf32>,
      %swap3A_873 = arith.index_cast %add3A_815 : i32 to index
      %swap3A_874 = arith.constant 80 : index
      %swap3A_875 = tpu.vector_load %arg7[%swap3A_873, %swap3A_874] {strides = array<i32>} : memref<8x128xf32, #tpu.memory_space<vmem>>, vector<16xf32>,
      tpu.vector_store %arg7[%swap3A_873, %swap3A_874], %parallel_loop3A_857#5 {strides = array<i32>} : memref<8x128xf32, #tpu.memory_space<vmem>>, vector<16xf32>,
      %swap3A_876 = arith.index_cast %add3A_815 : i32 to index
      %swap3A_877 = arith.constant 96 : index
      %swap3A_878 = tpu.vector_load %arg7[%swap3A_876, %swap3A_877] {strides = array<i32>} : memref<8x128xf32, #tpu.memory_space<vmem>>, vector<16xf32>,
      tpu.vector_store %arg7[%swap3A_876, %swap3A_877], %parallel_loop3A_857#6 {strides = array<i32>} : memref<8x128xf32, #tpu.memory_space<vmem>>, vector<16xf32>,
      %swap3A_879 = arith.index_cast %add3A_815 : i32 to index
      %swap3A_880 = arith.constant 112 : index
      %swap3A_881 = tpu.vector_load %arg7[%swap3A_879, %swap3A_880] {strides = array<i32>} : memref<8x128xf32, #tpu.memory_space<vmem>>, vector<16xf32>,
      tpu.vector_store %arg7[%swap3A_879, %swap3A_880], %parallel_loop3A_857#7 {strides = array<i32>} : memref<8x128xf32, #tpu.memory_space<vmem>>, vector<16xf32>,
    }
    %scan3A_176 = arith.constant 8 : i32
    "tpu.region"() ({
      %run_scoped3A = tpu.sem_alloc : memref<!tpu.dma_semaphore, #tpu.memory_space<semaphore_mem>>
      %dma_start3A_811 = arith.constant 0 : i32
      %dma_start3A_812 = arith.constant 0 : i32
      %dma_start3A_813 = tpu.memref_slice %arg10[%arg1, %dma_start3A_811, %dma_start3A_812] : memref<16x8x128xf32, #tpu.memory_space<vmem_shared>> -> memref<1x8x128xf32, #tpu.memory_space<vmem_shared>>
      %dma_start3A_814 = tpu.memref_squeeze %dma_start3A_813 : memref<1x8x128xf32, #tpu.memory_space<vmem_shared>> -> memref<8x128xf32, #tpu.memory_space<vmem_shared>>
      %dma_start3A_815 = arith.constant 0 : i32
      %dma_start3A_816 = arith.constant 0 : i32
      %dma_start3A_817 = tpu.memref_slice %arg10[%arg1, %dma_start3A_815, %dma_start3A_816] : memref<16x8x128xf32, #tpu.memory_space<vmem_shared>> -> memref<1x8x128xf32, #tpu.memory_space<vmem_shared>>
      %dma_start3A_818 = tpu.memref_squeeze %dma_start3A_817 : memref<1x8x128xf32, #tpu.memory_space<vmem_shared>> -> memref<8x128xf32, #tpu.memory_space<vmem_shared>>
      tpu.enqueue_dma source(%arg7 : memref<8x128xf32, #tpu.memory_space<vmem>>) target(%dma_start3A_818 : memref<8x128xf32, #tpu.memory_space<vmem_shared>>) target_semaphore(%run_scoped3A : memref<!tpu.dma_semaphore, #tpu.memory_space<semaphore_mem>>)
      %dma_wait3A_819 = arith.constant 0 : i32
      %dma_wait3A_820 = arith.constant 0 : i32
      %dma_wait3A_821 = tpu.memref_slice %arg10[%arg1, %dma_wait3A_819, %dma_wait3A_820] : memref<16x8x128xf32, #tpu.memory_space<vmem_shared>> -> memref<1x8x128xf32, #tpu.memory_space<vmem_shared>>
      %dma_wait3A_822 = tpu.memref_squeeze %dma_wait3A_821 : memref<1x8x128xf32, #tpu.memory_space<vmem_shared>> -> memref<8x128xf32, #tpu.memory_space<vmem_shared>>
      %dma_wait3A_823 = arith.constant 0 : i32
      %dma_wait3A_824 = arith.constant 0 : i32
      %dma_wait3A_825 = tpu.memref_slice %arg10[%arg1, %dma_wait3A_823, %dma_wait3A_824] : memref<16x8x128xf32, #tpu.memory_space<vmem_shared>> -> memref<1x8x128xf32, #tpu.memory_space<vmem_shared>>
      %dma_wait3A_826 = tpu.memref_squeeze %dma_wait3A_825 : memref<1x8x128xf32, #tpu.memory_space<vmem_shared>> -> memref<8x128xf32, #tpu.memory_space<vmem_shared>>
      tpu.wait_dma2 semaphore(%run_scoped3A : memref<!tpu.dma_semaphore, #tpu.memory_space<semaphore_mem>>) src(%arg7 : memref<8x128xf32, #tpu.memory_space<vmem>>) dst(%dma_wait3A_826 : memref<8x128xf32, #tpu.memory_space<vmem_shared>>)
      tpu.yield
    }) : () -> ()
    %barrier3A = arith.constant 0 : index
    tpu.barrier barrier_id(%barrier3A)
    %mul3A_177 = arith.constant 4 : i32
    %mul3A_178 = arith.muli %mul3A_177, %select_n3A_30 : i32
    "tpu.region"() ({
      %run_scoped3A = tpu.sem_alloc : memref<!tpu.dma_semaphore, #tpu.memory_space<semaphore_mem>>
      %dma_start3A_811 = arith.constant 0 : i32
      %dma_start3A_812 = tpu.memref_slice %arg10[%mul3A_178, %mul3A_66, %dma_start3A_811] : memref<16x8x128xf32, #tpu.memory_space<vmem_shared>> -> memref<4x2x128xf32, #tpu.memory_space<vmem_shared>>
      %dma_start3A_813 = arith.constant 0 : i32
      %dma_start3A_814 = tpu.memref_slice %arg10[%mul3A_178, %mul3A_66, %dma_start3A_813] : memref<16x8x128xf32, #tpu.memory_space<vmem_shared>> -> memref<4x2x128xf32, #tpu.memory_space<vmem_shared>>
      tpu.enqueue_dma source(%dma_start3A_814 : memref<4x2x128xf32, #tpu.memory_space<vmem_shared>>) target(%arg8 : memref<4x2x128xf32, #tpu.memory_space<vmem>>) target_semaphore(%run_scoped3A : memref<!tpu.dma_semaphore, #tpu.memory_space<semaphore_mem>>)
      %dma_wait3A_815 = arith.constant 0 : i32
      %dma_wait3A_816 = tpu.memref_slice %arg10[%mul3A_178, %mul3A_66, %dma_wait3A_815] : memref<16x8x128xf32, #tpu.memory_space<vmem_shared>> -> memref<4x2x128xf32, #tpu.memory_space<vmem_shared>>
      %dma_wait3A_817 = arith.constant 0 : i32
      %dma_wait3A_818 = tpu.memref_slice %arg10[%mul3A_178, %mul3A_66, %dma_wait3A_817] : memref<16x8x128xf32, #tpu.memory_space<vmem_shared>> -> memref<4x2x128xf32, #tpu.memory_space<vmem_shared>>
      tpu.wait_dma2 semaphore(%run_scoped3A : memref<!tpu.dma_semaphore, #tpu.memory_space<semaphore_mem>>) src(%dma_wait3A_818 : memref<4x2x128xf32, #tpu.memory_space<vmem_shared>>) dst(%arg8 : memref<4x2x128xf32, #tpu.memory_space<vmem>>)
      tpu.yield
    }) : () -> ()
    %add3A_179 = arith.constant 0 : i32
    %add3A_180 = arith.addi %mul3A_66, %add3A_179 : i32
    %add3A_181 = arith.addi %sub3A_92, %add3A_180 : i32
    %eq3A_182 = vector.broadcast %add3A_181 : i32 to vector<16xi32>
    %eq3A_183 = arith.cmpi eq, %iota3A, %eq3A_182 : vector<16xi32>
    %select_n3A_184 = arith.select %eq3A_183, %sub3A_112, %broadcast_in_dim3A_84 : vector<16xi1>, vector<16xi32>
    %reduce_sum3A_185 = arith.constant true
    %reduce_sum3A_186 = vector.broadcast %reduce_sum3A_185 : i1 to vector<16xi1>
    %reduce_sum3A_187 = tpu.scan <sum>, %select_n3A_184 masked %reduce_sum3A_186 : vector<16xi32>, vector<16xi1> -> vector<16xi32>
    %reduce_sum3A_188 = vector.extract %reduce_sum3A_187[15] : i32 from vector<16xi32>
    %max3A_189 = arith.constant 1 : i32
    %max3A_190 = arith.maxsi %reduce_sum3A_188, %max3A_189 : i32
    %convert_element_type3A = arith.sitofp %max3A_190 : i32 to f32
    %eq3A_191 = arith.constant 0 : i32
    %eq3A_192 = arith.cmpi eq, %reduce_sum3A_188, %eq3A_191 : i32
    %broadcast_in_dim3A_193 = arith.constant -1.000000e+00 : f32
    %broadcast_in_dim3A_194 = vector.broadcast %broadcast_in_dim3A_193 : f32 to vector<16xf32>
    %get3A_195 = arith.constant 0 : i32
    %get3A_196 = arith.constant 0 : i32
    %get3A_197 = arith.index_cast %get3A_195 : i32 to index
    %get3A_198 = arith.index_cast %get3A_196 : i32 to index
    %get3A_199 = arith.constant 0 : index
    %get3A_200 = tpu.vector_load %arg8[%get3A_197, %get3A_198, %get3A_199] {strides = array<i32>} : memref<4x2x128xf32, #tpu.memory_space<vmem>>, vector<16xf32>,
    %get3A_201 = arith.constant 1 : i32
    %get3A_202 = arith.constant 0 : i32
    %get3A_203 = arith.index_cast %get3A_201 : i32 to index
    %get3A_204 = arith.index_cast %get3A_202 : i32 to index
    %get3A_205 = arith.constant 0 : index
    %get3A_206 = tpu.vector_load %arg8[%get3A_203, %get3A_204, %get3A_205] {strides = array<i32>} : memref<4x2x128xf32, #tpu.memory_space<vmem>>, vector<16xf32>,
    %add3A_207 = arith.addf %get3A_200, %get3A_206 : vector<16xf32>
    %get3A_208 = arith.constant 2 : i32
    %get3A_209 = arith.constant 0 : i32
    %get3A_210 = arith.index_cast %get3A_208 : i32 to index
    %get3A_211 = arith.index_cast %get3A_209 : i32 to index
    %get3A_212 = arith.constant 0 : index
    %get3A_213 = tpu.vector_load %arg8[%get3A_210, %get3A_211, %get3A_212] {strides = array<i32>} : memref<4x2x128xf32, #tpu.memory_space<vmem>>, vector<16xf32>,
    %add3A_214 = arith.addf %add3A_207, %get3A_213 : vector<16xf32>
    %get3A_215 = arith.constant 3 : i32
    %get3A_216 = arith.constant 0 : i32
    %get3A_217 = arith.index_cast %get3A_215 : i32 to index
    %get3A_218 = arith.index_cast %get3A_216 : i32 to index
    %get3A_219 = arith.constant 0 : index
    %get3A_220 = tpu.vector_load %arg8[%get3A_217, %get3A_218, %get3A_219] {strides = array<i32>} : memref<4x2x128xf32, #tpu.memory_space<vmem>>, vector<16xf32>,
    %add3A_221 = arith.addf %add3A_214, %get3A_220 : vector<16xf32>
    %div3A_222 = vector.broadcast %convert_element_type3A : f32 to vector<16xf32>
    %div3A_223 = arith.divf %add3A_221, %div3A_222 : vector<16xf32>
    %select_n3A_224 = arith.select %eq3A_192, %broadcast_in_dim3A_194, %div3A_223 : vector<16xf32>
    %swap3A = arith.constant 0 : i32
    %swap3A_225 = arith.index_cast %swap3A : i32 to index
    %swap3A_226 = arith.constant 0 : index
    %swap3A_227 = tpu.vector_load %arg9[%swap3A_225, %swap3A_226] {strides = array<i32>} : memref<2x128xf32, #tpu.memory_space<vmem>>, vector<16xf32>,
    tpu.vector_store %arg9[%swap3A_225, %swap3A_226], %select_n3A_224 {strides = array<i32>} : memref<2x128xf32, #tpu.memory_space<vmem>>, vector<16xf32>,
    %get3A_228 = arith.constant 0 : i32
    %get3A_229 = arith.constant 0 : i32
    %get3A_230 = arith.index_cast %get3A_228 : i32 to index
    %get3A_231 = arith.index_cast %get3A_229 : i32 to index
    %get3A_232 = arith.constant 16 : index
    %get3A_233 = tpu.vector_load %arg8[%get3A_230, %get3A_231, %get3A_232] {strides = array<i32>} : memref<4x2x128xf32, #tpu.memory_space<vmem>>, vector<16xf32>,
    %get3A_234 = arith.constant 1 : i32
    %get3A_235 = arith.constant 0 : i32
    %get3A_236 = arith.index_cast %get3A_234 : i32 to index
    %get3A_237 = arith.index_cast %get3A_235 : i32 to index
    %get3A_238 = arith.constant 16 : index
    %get3A_239 = tpu.vector_load %arg8[%get3A_236, %get3A_237, %get3A_238] {strides = array<i32>} : memref<4x2x128xf32, #tpu.memory_space<vmem>>, vector<16xf32>,
    %add3A_240 = arith.addf %get3A_233, %get3A_239 : vector<16xf32>
    %get3A_241 = arith.constant 2 : i32
    %get3A_242 = arith.constant 0 : i32
    %get3A_243 = arith.index_cast %get3A_241 : i32 to index
    %get3A_244 = arith.index_cast %get3A_242 : i32 to index
    %get3A_245 = arith.constant 16 : index
    %get3A_246 = tpu.vector_load %arg8[%get3A_243, %get3A_244, %get3A_245] {strides = array<i32>} : memref<4x2x128xf32, #tpu.memory_space<vmem>>, vector<16xf32>,
    %add3A_247 = arith.addf %add3A_240, %get3A_246 : vector<16xf32>
    %get3A_248 = arith.constant 3 : i32
    %get3A_249 = arith.constant 0 : i32
    %get3A_250 = arith.index_cast %get3A_248 : i32 to index
    %get3A_251 = arith.index_cast %get3A_249 : i32 to index
    %get3A_252 = arith.constant 16 : index
    %get3A_253 = tpu.vector_load %arg8[%get3A_250, %get3A_251, %get3A_252] {strides = array<i32>} : memref<4x2x128xf32, #tpu.memory_space<vmem>>, vector<16xf32>,
    %add3A_254 = arith.addf %add3A_247, %get3A_253 : vector<16xf32>
    %div3A_255 = vector.broadcast %convert_element_type3A : f32 to vector<16xf32>
    %div3A_256 = arith.divf %add3A_254, %div3A_255 : vector<16xf32>
    %select_n3A_257 = arith.select %eq3A_192, %broadcast_in_dim3A_194, %div3A_256 : vector<16xf32>
    %swap3A_258 = arith.constant 0 : i32
    %swap3A_259 = arith.index_cast %swap3A_258 : i32 to index
    %swap3A_260 = arith.constant 16 : index
    %swap3A_261 = tpu.vector_load %arg9[%swap3A_259, %swap3A_260] {strides = array<i32>} : memref<2x128xf32, #tpu.memory_space<vmem>>, vector<16xf32>,
    tpu.vector_store %arg9[%swap3A_259, %swap3A_260], %select_n3A_257 {strides = array<i32>} : memref<2x128xf32, #tpu.memory_space<vmem>>, vector<16xf32>,
    %get3A_262 = arith.constant 0 : i32
    %get3A_263 = arith.constant 0 : i32
    %get3A_264 = arith.index_cast %get3A_262 : i32 to index
    %get3A_265 = arith.index_cast %get3A_263 : i32 to index
    %get3A_266 = arith.constant 32 : index
    %get3A_267 = tpu.vector_load %arg8[%get3A_264, %get3A_265, %get3A_266] {strides = array<i32>} : memref<4x2x128xf32, #tpu.memory_space<vmem>>, vector<16xf32>,
    %get3A_268 = arith.constant 1 : i32
    %get3A_269 = arith.constant 0 : i32
    %get3A_270 = arith.index_cast %get3A_268 : i32 to index
    %get3A_271 = arith.index_cast %get3A_269 : i32 to index
    %get3A_272 = arith.constant 32 : index
    %get3A_273 = tpu.vector_load %arg8[%get3A_270, %get3A_271, %get3A_272] {strides = array<i32>} : memref<4x2x128xf32, #tpu.memory_space<vmem>>, vector<16xf32>,
    %add3A_274 = arith.addf %get3A_267, %get3A_273 : vector<16xf32>
    %get3A_275 = arith.constant 2 : i32
    %get3A_276 = arith.constant 0 : i32
    %get3A_277 = arith.index_cast %get3A_275 : i32 to index
    %get3A_278 = arith.index_cast %get3A_276 : i32 to index
    %get3A_279 = arith.constant 32 : index
    %get3A_280 = tpu.vector_load %arg8[%get3A_277, %get3A_278, %get3A_279] {strides = array<i32>} : memref<4x2x128xf32, #tpu.memory_space<vmem>>, vector<16xf32>,
    %add3A_281 = arith.addf %add3A_274, %get3A_280 : vector<16xf32>
    %get3A_282 = arith.constant 3 : i32
    %get3A_283 = arith.constant 0 : i32
    %get3A_284 = arith.index_cast %get3A_282 : i32 to index
    %get3A_285 = arith.index_cast %get3A_283 : i32 to index
    %get3A_286 = arith.constant 32 : index
    %get3A_287 = tpu.vector_load %arg8[%get3A_284, %get3A_285, %get3A_286] {strides = array<i32>} : memref<4x2x128xf32, #tpu.memory_space<vmem>>, vector<16xf32>,
    %add3A_288 = arith.addf %add3A_281, %get3A_287 : vector<16xf32>
    %div3A_289 = vector.broadcast %convert_element_type3A : f32 to vector<16xf32>
    %div3A_290 = arith.divf %add3A_288, %div3A_289 : vector<16xf32>
    %select_n3A_291 = arith.select %eq3A_192, %broadcast_in_dim3A_194, %div3A_290 : vector<16xf32>
    %swap3A_292 = arith.constant 0 : i32
    %swap3A_293 = arith.index_cast %swap3A_292 : i32 to index
    %swap3A_294 = arith.constant 32 : index
    %swap3A_295 = tpu.vector_load %arg9[%swap3A_293, %swap3A_294] {strides = array<i32>} : memref<2x128xf32, #tpu.memory_space<vmem>>, vector<16xf32>,
    tpu.vector_store %arg9[%swap3A_293, %swap3A_294], %select_n3A_291 {strides = array<i32>} : memref<2x128xf32, #tpu.memory_space<vmem>>, vector<16xf32>,
    %get3A_296 = arith.constant 0 : i32
    %get3A_297 = arith.constant 0 : i32
    %get3A_298 = arith.index_cast %get3A_296 : i32 to index
    %get3A_299 = arith.index_cast %get3A_297 : i32 to index
    %get3A_300 = arith.constant 48 : index
    %get3A_301 = tpu.vector_load %arg8[%get3A_298, %get3A_299, %get3A_300] {strides = array<i32>} : memref<4x2x128xf32, #tpu.memory_space<vmem>>, vector<16xf32>,
    %get3A_302 = arith.constant 1 : i32
    %get3A_303 = arith.constant 0 : i32
    %get3A_304 = arith.index_cast %get3A_302 : i32 to index
    %get3A_305 = arith.index_cast %get3A_303 : i32 to index
    %get3A_306 = arith.constant 48 : index
    %get3A_307 = tpu.vector_load %arg8[%get3A_304, %get3A_305, %get3A_306] {strides = array<i32>} : memref<4x2x128xf32, #tpu.memory_space<vmem>>, vector<16xf32>,
    %add3A_308 = arith.addf %get3A_301, %get3A_307 : vector<16xf32>
    %get3A_309 = arith.constant 2 : i32
    %get3A_310 = arith.constant 0 : i32
    %get3A_311 = arith.index_cast %get3A_309 : i32 to index
    %get3A_312 = arith.index_cast %get3A_310 : i32 to index
    %get3A_313 = arith.constant 48 : index
    %get3A_314 = tpu.vector_load %arg8[%get3A_311, %get3A_312, %get3A_313] {strides = array<i32>} : memref<4x2x128xf32, #tpu.memory_space<vmem>>, vector<16xf32>,
    %add3A_315 = arith.addf %add3A_308, %get3A_314 : vector<16xf32>
    %get3A_316 = arith.constant 3 : i32
    %get3A_317 = arith.constant 0 : i32
    %get3A_318 = arith.index_cast %get3A_316 : i32 to index
    %get3A_319 = arith.index_cast %get3A_317 : i32 to index
    %get3A_320 = arith.constant 48 : index
    %get3A_321 = tpu.vector_load %arg8[%get3A_318, %get3A_319, %get3A_320] {strides = array<i32>} : memref<4x2x128xf32, #tpu.memory_space<vmem>>, vector<16xf32>,
    %add3A_322 = arith.addf %add3A_315, %get3A_321 : vector<16xf32>
    %div3A_323 = vector.broadcast %convert_element_type3A : f32 to vector<16xf32>
    %div3A_324 = arith.divf %add3A_322, %div3A_323 : vector<16xf32>
    %select_n3A_325 = arith.select %eq3A_192, %broadcast_in_dim3A_194, %div3A_324 : vector<16xf32>
    %swap3A_326 = arith.constant 0 : i32
    %swap3A_327 = arith.index_cast %swap3A_326 : i32 to index
    %swap3A_328 = arith.constant 48 : index
    %swap3A_329 = tpu.vector_load %arg9[%swap3A_327, %swap3A_328] {strides = array<i32>} : memref<2x128xf32, #tpu.memory_space<vmem>>, vector<16xf32>,
    tpu.vector_store %arg9[%swap3A_327, %swap3A_328], %select_n3A_325 {strides = array<i32>} : memref<2x128xf32, #tpu.memory_space<vmem>>, vector<16xf32>,
    %get3A_330 = arith.constant 0 : i32
    %get3A_331 = arith.constant 0 : i32
    %get3A_332 = arith.index_cast %get3A_330 : i32 to index
    %get3A_333 = arith.index_cast %get3A_331 : i32 to index
    %get3A_334 = arith.constant 64 : index
    %get3A_335 = tpu.vector_load %arg8[%get3A_332, %get3A_333, %get3A_334] {strides = array<i32>} : memref<4x2x128xf32, #tpu.memory_space<vmem>>, vector<16xf32>,
    %get3A_336 = arith.constant 1 : i32
    %get3A_337 = arith.constant 0 : i32
    %get3A_338 = arith.index_cast %get3A_336 : i32 to index
    %get3A_339 = arith.index_cast %get3A_337 : i32 to index
    %get3A_340 = arith.constant 64 : index
    %get3A_341 = tpu.vector_load %arg8[%get3A_338, %get3A_339, %get3A_340] {strides = array<i32>} : memref<4x2x128xf32, #tpu.memory_space<vmem>>, vector<16xf32>,
    %add3A_342 = arith.addf %get3A_335, %get3A_341 : vector<16xf32>
    %get3A_343 = arith.constant 2 : i32
    %get3A_344 = arith.constant 0 : i32
    %get3A_345 = arith.index_cast %get3A_343 : i32 to index
    %get3A_346 = arith.index_cast %get3A_344 : i32 to index
    %get3A_347 = arith.constant 64 : index
    %get3A_348 = tpu.vector_load %arg8[%get3A_345, %get3A_346, %get3A_347] {strides = array<i32>} : memref<4x2x128xf32, #tpu.memory_space<vmem>>, vector<16xf32>,
    %add3A_349 = arith.addf %add3A_342, %get3A_348 : vector<16xf32>
    %get3A_350 = arith.constant 3 : i32
    %get3A_351 = arith.constant 0 : i32
    %get3A_352 = arith.index_cast %get3A_350 : i32 to index
    %get3A_353 = arith.index_cast %get3A_351 : i32 to index
    %get3A_354 = arith.constant 64 : index
    %get3A_355 = tpu.vector_load %arg8[%get3A_352, %get3A_353, %get3A_354] {strides = array<i32>} : memref<4x2x128xf32, #tpu.memory_space<vmem>>, vector<16xf32>,
    %add3A_356 = arith.addf %add3A_349, %get3A_355 : vector<16xf32>
    %div3A_357 = vector.broadcast %convert_element_type3A : f32 to vector<16xf32>
    %div3A_358 = arith.divf %add3A_356, %div3A_357 : vector<16xf32>
    %select_n3A_359 = arith.select %eq3A_192, %broadcast_in_dim3A_194, %div3A_358 : vector<16xf32>
    %swap3A_360 = arith.constant 0 : i32
    %swap3A_361 = arith.index_cast %swap3A_360 : i32 to index
    %swap3A_362 = arith.constant 64 : index
    %swap3A_363 = tpu.vector_load %arg9[%swap3A_361, %swap3A_362] {strides = array<i32>} : memref<2x128xf32, #tpu.memory_space<vmem>>, vector<16xf32>,
    tpu.vector_store %arg9[%swap3A_361, %swap3A_362], %select_n3A_359 {strides = array<i32>} : memref<2x128xf32, #tpu.memory_space<vmem>>, vector<16xf32>,
    %get3A_364 = arith.constant 0 : i32
    %get3A_365 = arith.constant 0 : i32
    %get3A_366 = arith.index_cast %get3A_364 : i32 to index
    %get3A_367 = arith.index_cast %get3A_365 : i32 to index
    %get3A_368 = arith.constant 80 : index
    %get3A_369 = tpu.vector_load %arg8[%get3A_366, %get3A_367, %get3A_368] {strides = array<i32>} : memref<4x2x128xf32, #tpu.memory_space<vmem>>, vector<16xf32>,
    %get3A_370 = arith.constant 1 : i32
    %get3A_371 = arith.constant 0 : i32
    %get3A_372 = arith.index_cast %get3A_370 : i32 to index
    %get3A_373 = arith.index_cast %get3A_371 : i32 to index
    %get3A_374 = arith.constant 80 : index
    %get3A_375 = tpu.vector_load %arg8[%get3A_372, %get3A_373, %get3A_374] {strides = array<i32>} : memref<4x2x128xf32, #tpu.memory_space<vmem>>, vector<16xf32>,
    %add3A_376 = arith.addf %get3A_369, %get3A_375 : vector<16xf32>
    %get3A_377 = arith.constant 2 : i32
    %get3A_378 = arith.constant 0 : i32
    %get3A_379 = arith.index_cast %get3A_377 : i32 to index
    %get3A_380 = arith.index_cast %get3A_378 : i32 to index
    %get3A_381 = arith.constant 80 : index
    %get3A_382 = tpu.vector_load %arg8[%get3A_379, %get3A_380, %get3A_381] {strides = array<i32>} : memref<4x2x128xf32, #tpu.memory_space<vmem>>, vector<16xf32>,
    %add3A_383 = arith.addf %add3A_376, %get3A_382 : vector<16xf32>
    %get3A_384 = arith.constant 3 : i32
    %get3A_385 = arith.constant 0 : i32
    %get3A_386 = arith.index_cast %get3A_384 : i32 to index
    %get3A_387 = arith.index_cast %get3A_385 : i32 to index
    %get3A_388 = arith.constant 80 : index
    %get3A_389 = tpu.vector_load %arg8[%get3A_386, %get3A_387, %get3A_388] {strides = array<i32>} : memref<4x2x128xf32, #tpu.memory_space<vmem>>, vector<16xf32>,
    %add3A_390 = arith.addf %add3A_383, %get3A_389 : vector<16xf32>
    %div3A_391 = vector.broadcast %convert_element_type3A : f32 to vector<16xf32>
    %div3A_392 = arith.divf %add3A_390, %div3A_391 : vector<16xf32>
    %select_n3A_393 = arith.select %eq3A_192, %broadcast_in_dim3A_194, %div3A_392 : vector<16xf32>
    %swap3A_394 = arith.constant 0 : i32
    %swap3A_395 = arith.index_cast %swap3A_394 : i32 to index
    %swap3A_396 = arith.constant 80 : index
    %swap3A_397 = tpu.vector_load %arg9[%swap3A_395, %swap3A_396] {strides = array<i32>} : memref<2x128xf32, #tpu.memory_space<vmem>>, vector<16xf32>,
    tpu.vector_store %arg9[%swap3A_395, %swap3A_396], %select_n3A_393 {strides = array<i32>} : memref<2x128xf32, #tpu.memory_space<vmem>>, vector<16xf32>,
    %get3A_398 = arith.constant 0 : i32
    %get3A_399 = arith.constant 0 : i32
    %get3A_400 = arith.index_cast %get3A_398 : i32 to index
    %get3A_401 = arith.index_cast %get3A_399 : i32 to index
    %get3A_402 = arith.constant 96 : index
    %get3A_403 = tpu.vector_load %arg8[%get3A_400, %get3A_401, %get3A_402] {strides = array<i32>} : memref<4x2x128xf32, #tpu.memory_space<vmem>>, vector<16xf32>,
    %get3A_404 = arith.constant 1 : i32
    %get3A_405 = arith.constant 0 : i32
    %get3A_406 = arith.index_cast %get3A_404 : i32 to index
    %get3A_407 = arith.index_cast %get3A_405 : i32 to index
    %get3A_408 = arith.constant 96 : index
    %get3A_409 = tpu.vector_load %arg8[%get3A_406, %get3A_407, %get3A_408] {strides = array<i32>} : memref<4x2x128xf32, #tpu.memory_space<vmem>>, vector<16xf32>,
    %add3A_410 = arith.addf %get3A_403, %get3A_409 : vector<16xf32>
    %get3A_411 = arith.constant 2 : i32
    %get3A_412 = arith.constant 0 : i32
    %get3A_413 = arith.index_cast %get3A_411 : i32 to index
    %get3A_414 = arith.index_cast %get3A_412 : i32 to index
    %get3A_415 = arith.constant 96 : index
    %get3A_416 = tpu.vector_load %arg8[%get3A_413, %get3A_414, %get3A_415] {strides = array<i32>} : memref<4x2x128xf32, #tpu.memory_space<vmem>>, vector<16xf32>,
    %add3A_417 = arith.addf %add3A_410, %get3A_416 : vector<16xf32>
    %get3A_418 = arith.constant 3 : i32
    %get3A_419 = arith.constant 0 : i32
    %get3A_420 = arith.index_cast %get3A_418 : i32 to index
    %get3A_421 = arith.index_cast %get3A_419 : i32 to index
    %get3A_422 = arith.constant 96 : index
    %get3A_423 = tpu.vector_load %arg8[%get3A_420, %get3A_421, %get3A_422] {strides = array<i32>} : memref<4x2x128xf32, #tpu.memory_space<vmem>>, vector<16xf32>,
    %add3A_424 = arith.addf %add3A_417, %get3A_423 : vector<16xf32>
    %div3A_425 = vector.broadcast %convert_element_type3A : f32 to vector<16xf32>
    %div3A_426 = arith.divf %add3A_424, %div3A_425 : vector<16xf32>
    %select_n3A_427 = arith.select %eq3A_192, %broadcast_in_dim3A_194, %div3A_426 : vector<16xf32>
    %swap3A_428 = arith.constant 0 : i32
    %swap3A_429 = arith.index_cast %swap3A_428 : i32 to index
    %swap3A_430 = arith.constant 96 : index
    %swap3A_431 = tpu.vector_load %arg9[%swap3A_429, %swap3A_430] {strides = array<i32>} : memref<2x128xf32, #tpu.memory_space<vmem>>, vector<16xf32>,
    tpu.vector_store %arg9[%swap3A_429, %swap3A_430], %select_n3A_427 {strides = array<i32>} : memref<2x128xf32, #tpu.memory_space<vmem>>, vector<16xf32>,
    %get3A_432 = arith.constant 0 : i32
    %get3A_433 = arith.constant 0 : i32
    %get3A_434 = arith.index_cast %get3A_432 : i32 to index
    %get3A_435 = arith.index_cast %get3A_433 : i32 to index
    %get3A_436 = arith.constant 112 : index
    %get3A_437 = tpu.vector_load %arg8[%get3A_434, %get3A_435, %get3A_436] {strides = array<i32>} : memref<4x2x128xf32, #tpu.memory_space<vmem>>, vector<16xf32>,
    %get3A_438 = arith.constant 1 : i32
    %get3A_439 = arith.constant 0 : i32
    %get3A_440 = arith.index_cast %get3A_438 : i32 to index
    %get3A_441 = arith.index_cast %get3A_439 : i32 to index
    %get3A_442 = arith.constant 112 : index
    %get3A_443 = tpu.vector_load %arg8[%get3A_440, %get3A_441, %get3A_442] {strides = array<i32>} : memref<4x2x128xf32, #tpu.memory_space<vmem>>, vector<16xf32>,
    %add3A_444 = arith.addf %get3A_437, %get3A_443 : vector<16xf32>
    %get3A_445 = arith.constant 2 : i32
    %get3A_446 = arith.constant 0 : i32
    %get3A_447 = arith.index_cast %get3A_445 : i32 to index
    %get3A_448 = arith.index_cast %get3A_446 : i32 to index
    %get3A_449 = arith.constant 112 : index
    %get3A_450 = tpu.vector_load %arg8[%get3A_447, %get3A_448, %get3A_449] {strides = array<i32>} : memref<4x2x128xf32, #tpu.memory_space<vmem>>, vector<16xf32>,
    %add3A_451 = arith.addf %add3A_444, %get3A_450 : vector<16xf32>
    %get3A_452 = arith.constant 3 : i32
    %get3A_453 = arith.constant 0 : i32
    %get3A_454 = arith.index_cast %get3A_452 : i32 to index
    %get3A_455 = arith.index_cast %get3A_453 : i32 to index
    %get3A_456 = arith.constant 112 : index
    %get3A_457 = tpu.vector_load %arg8[%get3A_454, %get3A_455, %get3A_456] {strides = array<i32>} : memref<4x2x128xf32, #tpu.memory_space<vmem>>, vector<16xf32>,
    %add3A_458 = arith.addf %add3A_451, %get3A_457 : vector<16xf32>
    %div3A_459 = vector.broadcast %convert_element_type3A : f32 to vector<16xf32>
    %div3A_460 = arith.divf %add3A_458, %div3A_459 : vector<16xf32>
    %select_n3A_461 = arith.select %eq3A_192, %broadcast_in_dim3A_194, %div3A_460 : vector<16xf32>
    %swap3A_462 = arith.constant 0 : i32
    %swap3A_463 = arith.index_cast %swap3A_462 : i32 to index
    %swap3A_464 = arith.constant 112 : index
    %swap3A_465 = tpu.vector_load %arg9[%swap3A_463, %swap3A_464] {strides = array<i32>} : memref<2x128xf32, #tpu.memory_space<vmem>>, vector<16xf32>,
    tpu.vector_store %arg9[%swap3A_463, %swap3A_464], %select_n3A_461 {strides = array<i32>} : memref<2x128xf32, #tpu.memory_space<vmem>>, vector<16xf32>,
    %dma_start3A_466 = arith.constant 0 : i32
    %dma_start3A_467 = arith.constant 0 : i32
    %dma_start3A_468 = tpu.memref_slice %arg9[%dma_start3A_466, %dma_start3A_467] : memref<2x128xf32, #tpu.memory_space<vmem>> -> memref<1x128xf32, #tpu.memory_space<vmem>>
    %dma_start3A_469 = tpu.memref_squeeze %dma_start3A_468 : memref<1x128xf32, #tpu.memory_space<vmem>> -> memref<128xf32, #tpu.memory_space<vmem>>
    %dma_start3A_470 = arith.constant 0 : i32
    %dma_start3A_471 = tpu.memref_slice %arg4[%add3A, %add3A_180, %dma_start3A_470] : memref<8x8x128xf32, #tpu.memory_space<hbm>> -> memref<1x1x128xf32, #tpu.memory_space<hbm>>
    %dma_start3A_472 = tpu.memref_squeeze %dma_start3A_471 : memref<1x1x128xf32, #tpu.memory_space<hbm>> -> memref<128xf32, #tpu.memory_space<hbm>>
    %dma_start3A_473 = arith.constant 0 : i32
    %dma_start3A_474 = tpu.memref_slice %arg4[%add3A, %add3A_180, %dma_start3A_473] : memref<8x8x128xf32, #tpu.memory_space<hbm>> -> memref<1x1x128xf32, #tpu.memory_space<hbm>>
    %dma_start3A_475 = tpu.memref_squeeze %dma_start3A_474 : memref<1x1x128xf32, #tpu.memory_space<hbm>> -> memref<128xf32, #tpu.memory_space<hbm>>
    %dma_start3A_476 = arith.constant 0 : i32
    %dma_start3A_477 = tpu.memref_slice %arg9[%dma_start3A_466, %dma_start3A_476] : memref<2x128xf32, #tpu.memory_space<vmem>> -> memref<1x128xf32, #tpu.memory_space<vmem>>
    %dma_start3A_478 = tpu.memref_squeeze %dma_start3A_477 : memref<1x128xf32, #tpu.memory_space<vmem>> -> memref<128xf32, #tpu.memory_space<vmem>>
    tpu.enqueue_dma source(%dma_start3A_478 : memref<128xf32, #tpu.memory_space<vmem>>) target(%dma_start3A_475 : memref<128xf32, #tpu.memory_space<hbm>>) target_semaphore(%arg14 : memref<!tpu.dma_semaphore, #tpu.memory_space<semaphore_mem>>)
    %add3A_479 = arith.constant 1 : i32
    %add3A_480 = arith.addi %mul3A_66, %add3A_479 : i32
    %add3A_481 = arith.addi %sub3A_92, %add3A_480 : i32
    %eq3A_482 = vector.broadcast %add3A_481 : i32 to vector<16xi32>
    %eq3A_483 = arith.cmpi eq, %iota3A, %eq3A_482 : vector<16xi32>
    %select_n3A_484 = arith.select %eq3A_483, %sub3A_112, %broadcast_in_dim3A_84 : vector<16xi1>, vector<16xi32>
    %reduce_sum3A_485 = arith.constant true
    %reduce_sum3A_486 = vector.broadcast %reduce_sum3A_485 : i1 to vector<16xi1>
    %reduce_sum3A_487 = tpu.scan <sum>, %select_n3A_484 masked %reduce_sum3A_486 : vector<16xi32>, vector<16xi1> -> vector<16xi32>
    %reduce_sum3A_488 = vector.extract %reduce_sum3A_487[15] : i32 from vector<16xi32>
    %max3A_489 = arith.constant 1 : i32
    %max3A_490 = arith.maxsi %reduce_sum3A_488, %max3A_489 : i32
    %convert_element_type3A_491 = arith.sitofp %max3A_490 : i32 to f32
    %eq3A_492 = arith.constant 0 : i32
    %eq3A_493 = arith.cmpi eq, %reduce_sum3A_488, %eq3A_492 : i32
    %broadcast_in_dim3A_494 = arith.constant -1.000000e+00 : f32
    %broadcast_in_dim3A_495 = vector.broadcast %broadcast_in_dim3A_494 : f32 to vector<16xf32>
    %get3A_496 = arith.constant 0 : i32
    %get3A_497 = arith.constant 1 : i32
    %get3A_498 = arith.index_cast %get3A_496 : i32 to index
    %get3A_499 = arith.index_cast %get3A_497 : i32 to index
    %get3A_500 = arith.constant 0 : index
    %get3A_501 = tpu.vector_load %arg8[%get3A_498, %get3A_499, %get3A_500] {strides = array<i32>} : memref<4x2x128xf32, #tpu.memory_space<vmem>>, vector<16xf32>,
    %get3A_502 = arith.constant 1 : i32
    %get3A_503 = arith.constant 1 : i32
    %get3A_504 = arith.index_cast %get3A_502 : i32 to index
    %get3A_505 = arith.index_cast %get3A_503 : i32 to index
    %get3A_506 = arith.constant 0 : index
    %get3A_507 = tpu.vector_load %arg8[%get3A_504, %get3A_505, %get3A_506] {strides = array<i32>} : memref<4x2x128xf32, #tpu.memory_space<vmem>>, vector<16xf32>,
    %add3A_508 = arith.addf %get3A_501, %get3A_507 : vector<16xf32>
    %get3A_509 = arith.constant 2 : i32
    %get3A_510 = arith.constant 1 : i32
    %get3A_511 = arith.index_cast %get3A_509 : i32 to index
    %get3A_512 = arith.index_cast %get3A_510 : i32 to index
    %get3A_513 = arith.constant 0 : index
    %get3A_514 = tpu.vector_load %arg8[%get3A_511, %get3A_512, %get3A_513] {strides = array<i32>} : memref<4x2x128xf32, #tpu.memory_space<vmem>>, vector<16xf32>,
    %add3A_515 = arith.addf %add3A_508, %get3A_514 : vector<16xf32>
    %get3A_516 = arith.constant 3 : i32
    %get3A_517 = arith.constant 1 : i32
    %get3A_518 = arith.index_cast %get3A_516 : i32 to index
    %get3A_519 = arith.index_cast %get3A_517 : i32 to index
    %get3A_520 = arith.constant 0 : index
    %get3A_521 = tpu.vector_load %arg8[%get3A_518, %get3A_519, %get3A_520] {strides = array<i32>} : memref<4x2x128xf32, #tpu.memory_space<vmem>>, vector<16xf32>,
    %add3A_522 = arith.addf %add3A_515, %get3A_521 : vector<16xf32>
    %div3A_523 = vector.broadcast %convert_element_type3A_491 : f32 to vector<16xf32>
    %div3A_524 = arith.divf %add3A_522, %div3A_523 : vector<16xf32>
    %select_n3A_525 = arith.select %eq3A_493, %broadcast_in_dim3A_495, %div3A_524 : vector<16xf32>
    %swap3A_526 = arith.constant 1 : i32
    %swap3A_527 = arith.index_cast %swap3A_526 : i32 to index
    %swap3A_528 = arith.constant 0 : index
    %swap3A_529 = tpu.vector_load %arg9[%swap3A_527, %swap3A_528] {strides = array<i32>} : memref<2x128xf32, #tpu.memory_space<vmem>>, vector<16xf32>,
    tpu.vector_store %arg9[%swap3A_527, %swap3A_528], %select_n3A_525 {strides = array<i32>} : memref<2x128xf32, #tpu.memory_space<vmem>>, vector<16xf32>,
    %get3A_530 = arith.constant 0 : i32
    %get3A_531 = arith.constant 1 : i32
    %get3A_532 = arith.index_cast %get3A_530 : i32 to index
    %get3A_533 = arith.index_cast %get3A_531 : i32 to index
    %get3A_534 = arith.constant 16 : index
    %get3A_535 = tpu.vector_load %arg8[%get3A_532, %get3A_533, %get3A_534] {strides = array<i32>} : memref<4x2x128xf32, #tpu.memory_space<vmem>>, vector<16xf32>,
    %get3A_536 = arith.constant 1 : i32
    %get3A_537 = arith.constant 1 : i32
    %get3A_538 = arith.index_cast %get3A_536 : i32 to index
    %get3A_539 = arith.index_cast %get3A_537 : i32 to index
    %get3A_540 = arith.constant 16 : index
    %get3A_541 = tpu.vector_load %arg8[%get3A_538, %get3A_539, %get3A_540] {strides = array<i32>} : memref<4x2x128xf32, #tpu.memory_space<vmem>>, vector<16xf32>,
    %add3A_542 = arith.addf %get3A_535, %get3A_541 : vector<16xf32>
    %get3A_543 = arith.constant 2 : i32
    %get3A_544 = arith.constant 1 : i32
    %get3A_545 = arith.index_cast %get3A_543 : i32 to index
    %get3A_546 = arith.index_cast %get3A_544 : i32 to index
    %get3A_547 = arith.constant 16 : index
    %get3A_548 = tpu.vector_load %arg8[%get3A_545, %get3A_546, %get3A_547] {strides = array<i32>} : memref<4x2x128xf32, #tpu.memory_space<vmem>>, vector<16xf32>,
    %add3A_549 = arith.addf %add3A_542, %get3A_548 : vector<16xf32>
    %get3A_550 = arith.constant 3 : i32
    %get3A_551 = arith.constant 1 : i32
    %get3A_552 = arith.index_cast %get3A_550 : i32 to index
    %get3A_553 = arith.index_cast %get3A_551 : i32 to index
    %get3A_554 = arith.constant 16 : index
    %get3A_555 = tpu.vector_load %arg8[%get3A_552, %get3A_553, %get3A_554] {strides = array<i32>} : memref<4x2x128xf32, #tpu.memory_space<vmem>>, vector<16xf32>,
    %add3A_556 = arith.addf %add3A_549, %get3A_555 : vector<16xf32>
    %div3A_557 = vector.broadcast %convert_element_type3A_491 : f32 to vector<16xf32>
    %div3A_558 = arith.divf %add3A_556, %div3A_557 : vector<16xf32>
    %select_n3A_559 = arith.select %eq3A_493, %broadcast_in_dim3A_495, %div3A_558 : vector<16xf32>
    %swap3A_560 = arith.constant 1 : i32
    %swap3A_561 = arith.index_cast %swap3A_560 : i32 to index
    %swap3A_562 = arith.constant 16 : index
    %swap3A_563 = tpu.vector_load %arg9[%swap3A_561, %swap3A_562] {strides = array<i32>} : memref<2x128xf32, #tpu.memory_space<vmem>>, vector<16xf32>,
    tpu.vector_store %arg9[%swap3A_561, %swap3A_562], %select_n3A_559 {strides = array<i32>} : memref<2x128xf32, #tpu.memory_space<vmem>>, vector<16xf32>,
    %get3A_564 = arith.constant 0 : i32
    %get3A_565 = arith.constant 1 : i32
    %get3A_566 = arith.index_cast %get3A_564 : i32 to index
    %get3A_567 = arith.index_cast %get3A_565 : i32 to index
    %get3A_568 = arith.constant 32 : index
    %get3A_569 = tpu.vector_load %arg8[%get3A_566, %get3A_567, %get3A_568] {strides = array<i32>} : memref<4x2x128xf32, #tpu.memory_space<vmem>>, vector<16xf32>,
    %get3A_570 = arith.constant 1 : i32
    %get3A_571 = arith.constant 1 : i32
    %get3A_572 = arith.index_cast %get3A_570 : i32 to index
    %get3A_573 = arith.index_cast %get3A_571 : i32 to index
    %get3A_574 = arith.constant 32 : index
    %get3A_575 = tpu.vector_load %arg8[%get3A_572, %get3A_573, %get3A_574] {strides = array<i32>} : memref<4x2x128xf32, #tpu.memory_space<vmem>>, vector<16xf32>,
    %add3A_576 = arith.addf %get3A_569, %get3A_575 : vector<16xf32>
    %get3A_577 = arith.constant 2 : i32
    %get3A_578 = arith.constant 1 : i32
    %get3A_579 = arith.index_cast %get3A_577 : i32 to index
    %get3A_580 = arith.index_cast %get3A_578 : i32 to index
    %get3A_581 = arith.constant 32 : index
    %get3A_582 = tpu.vector_load %arg8[%get3A_579, %get3A_580, %get3A_581] {strides = array<i32>} : memref<4x2x128xf32, #tpu.memory_space<vmem>>, vector<16xf32>,
    %add3A_583 = arith.addf %add3A_576, %get3A_582 : vector<16xf32>
    %get3A_584 = arith.constant 3 : i32
    %get3A_585 = arith.constant 1 : i32
    %get3A_586 = arith.index_cast %get3A_584 : i32 to index
    %get3A_587 = arith.index_cast %get3A_585 : i32 to index
    %get3A_588 = arith.constant 32 : index
    %get3A_589 = tpu.vector_load %arg8[%get3A_586, %get3A_587, %get3A_588] {strides = array<i32>} : memref<4x2x128xf32, #tpu.memory_space<vmem>>, vector<16xf32>,
    %add3A_590 = arith.addf %add3A_583, %get3A_589 : vector<16xf32>
    %div3A_591 = vector.broadcast %convert_element_type3A_491 : f32 to vector<16xf32>
    %div3A_592 = arith.divf %add3A_590, %div3A_591 : vector<16xf32>
    %select_n3A_593 = arith.select %eq3A_493, %broadcast_in_dim3A_495, %div3A_592 : vector<16xf32>
    %swap3A_594 = arith.constant 1 : i32
    %swap3A_595 = arith.index_cast %swap3A_594 : i32 to index
    %swap3A_596 = arith.constant 32 : index
    %swap3A_597 = tpu.vector_load %arg9[%swap3A_595, %swap3A_596] {strides = array<i32>} : memref<2x128xf32, #tpu.memory_space<vmem>>, vector<16xf32>,
    tpu.vector_store %arg9[%swap3A_595, %swap3A_596], %select_n3A_593 {strides = array<i32>} : memref<2x128xf32, #tpu.memory_space<vmem>>, vector<16xf32>,
    %get3A_598 = arith.constant 0 : i32
    %get3A_599 = arith.constant 1 : i32
    %get3A_600 = arith.index_cast %get3A_598 : i32 to index
    %get3A_601 = arith.index_cast %get3A_599 : i32 to index
    %get3A_602 = arith.constant 48 : index
    %get3A_603 = tpu.vector_load %arg8[%get3A_600, %get3A_601, %get3A_602] {strides = array<i32>} : memref<4x2x128xf32, #tpu.memory_space<vmem>>, vector<16xf32>,
    %get3A_604 = arith.constant 1 : i32
    %get3A_605 = arith.constant 1 : i32
    %get3A_606 = arith.index_cast %get3A_604 : i32 to index
    %get3A_607 = arith.index_cast %get3A_605 : i32 to index
    %get3A_608 = arith.constant 48 : index
    %get3A_609 = tpu.vector_load %arg8[%get3A_606, %get3A_607, %get3A_608] {strides = array<i32>} : memref<4x2x128xf32, #tpu.memory_space<vmem>>, vector<16xf32>,
    %add3A_610 = arith.addf %get3A_603, %get3A_609 : vector<16xf32>
    %get3A_611 = arith.constant 2 : i32
    %get3A_612 = arith.constant 1 : i32
    %get3A_613 = arith.index_cast %get3A_611 : i32 to index
    %get3A_614 = arith.index_cast %get3A_612 : i32 to index
    %get3A_615 = arith.constant 48 : index
    %get3A_616 = tpu.vector_load %arg8[%get3A_613, %get3A_614, %get3A_615] {strides = array<i32>} : memref<4x2x128xf32, #tpu.memory_space<vmem>>, vector<16xf32>,
    %add3A_617 = arith.addf %add3A_610, %get3A_616 : vector<16xf32>
    %get3A_618 = arith.constant 3 : i32
    %get3A_619 = arith.constant 1 : i32
    %get3A_620 = arith.index_cast %get3A_618 : i32 to index
    %get3A_621 = arith.index_cast %get3A_619 : i32 to index
    %get3A_622 = arith.constant 48 : index
    %get3A_623 = tpu.vector_load %arg8[%get3A_620, %get3A_621, %get3A_622] {strides = array<i32>} : memref<4x2x128xf32, #tpu.memory_space<vmem>>, vector<16xf32>,
    %add3A_624 = arith.addf %add3A_617, %get3A_623 : vector<16xf32>
    %div3A_625 = vector.broadcast %convert_element_type3A_491 : f32 to vector<16xf32>
    %div3A_626 = arith.divf %add3A_624, %div3A_625 : vector<16xf32>
    %select_n3A_627 = arith.select %eq3A_493, %broadcast_in_dim3A_495, %div3A_626 : vector<16xf32>
    %swap3A_628 = arith.constant 1 : i32
    %swap3A_629 = arith.index_cast %swap3A_628 : i32 to index
    %swap3A_630 = arith.constant 48 : index
    %swap3A_631 = tpu.vector_load %arg9[%swap3A_629, %swap3A_630] {strides = array<i32>} : memref<2x128xf32, #tpu.memory_space<vmem>>, vector<16xf32>,
    tpu.vector_store %arg9[%swap3A_629, %swap3A_630], %select_n3A_627 {strides = array<i32>} : memref<2x128xf32, #tpu.memory_space<vmem>>, vector<16xf32>,
    %get3A_632 = arith.constant 0 : i32
    %get3A_633 = arith.constant 1 : i32
    %get3A_634 = arith.index_cast %get3A_632 : i32 to index
    %get3A_635 = arith.index_cast %get3A_633 : i32 to index
    %get3A_636 = arith.constant 64 : index
    %get3A_637 = tpu.vector_load %arg8[%get3A_634, %get3A_635, %get3A_636] {strides = array<i32>} : memref<4x2x128xf32, #tpu.memory_space<vmem>>, vector<16xf32>,
    %get3A_638 = arith.constant 1 : i32
    %get3A_639 = arith.constant 1 : i32
    %get3A_640 = arith.index_cast %get3A_638 : i32 to index
    %get3A_641 = arith.index_cast %get3A_639 : i32 to index
    %get3A_642 = arith.constant 64 : index
    %get3A_643 = tpu.vector_load %arg8[%get3A_640, %get3A_641, %get3A_642] {strides = array<i32>} : memref<4x2x128xf32, #tpu.memory_space<vmem>>, vector<16xf32>,
    %add3A_644 = arith.addf %get3A_637, %get3A_643 : vector<16xf32>
    %get3A_645 = arith.constant 2 : i32
    %get3A_646 = arith.constant 1 : i32
    %get3A_647 = arith.index_cast %get3A_645 : i32 to index
    %get3A_648 = arith.index_cast %get3A_646 : i32 to index
    %get3A_649 = arith.constant 64 : index
    %get3A_650 = tpu.vector_load %arg8[%get3A_647, %get3A_648, %get3A_649] {strides = array<i32>} : memref<4x2x128xf32, #tpu.memory_space<vmem>>, vector<16xf32>,
    %add3A_651 = arith.addf %add3A_644, %get3A_650 : vector<16xf32>
    %get3A_652 = arith.constant 3 : i32
    %get3A_653 = arith.constant 1 : i32
    %get3A_654 = arith.index_cast %get3A_652 : i32 to index
    %get3A_655 = arith.index_cast %get3A_653 : i32 to index
    %get3A_656 = arith.constant 64 : index
    %get3A_657 = tpu.vector_load %arg8[%get3A_654, %get3A_655, %get3A_656] {strides = array<i32>} : memref<4x2x128xf32, #tpu.memory_space<vmem>>, vector<16xf32>,
    %add3A_658 = arith.addf %add3A_651, %get3A_657 : vector<16xf32>
    %div3A_659 = vector.broadcast %convert_element_type3A_491 : f32 to vector<16xf32>
    %div3A_660 = arith.divf %add3A_658, %div3A_659 : vector<16xf32>
    %select_n3A_661 = arith.select %eq3A_493, %broadcast_in_dim3A_495, %div3A_660 : vector<16xf32>
    %swap3A_662 = arith.constant 1 : i32
    %swap3A_663 = arith.index_cast %swap3A_662 : i32 to index
    %swap3A_664 = arith.constant 64 : index
    %swap3A_665 = tpu.vector_load %arg9[%swap3A_663, %swap3A_664] {strides = array<i32>} : memref<2x128xf32, #tpu.memory_space<vmem>>, vector<16xf32>,
    tpu.vector_store %arg9[%swap3A_663, %swap3A_664], %select_n3A_661 {strides = array<i32>} : memref<2x128xf32, #tpu.memory_space<vmem>>, vector<16xf32>,
    %get3A_666 = arith.constant 0 : i32
    %get3A_667 = arith.constant 1 : i32
    %get3A_668 = arith.index_cast %get3A_666 : i32 to index
    %get3A_669 = arith.index_cast %get3A_667 : i32 to index
    %get3A_670 = arith.constant 80 : index
    %get3A_671 = tpu.vector_load %arg8[%get3A_668, %get3A_669, %get3A_670] {strides = array<i32>} : memref<4x2x128xf32, #tpu.memory_space<vmem>>, vector<16xf32>,
    %get3A_672 = arith.constant 1 : i32
    %get3A_673 = arith.constant 1 : i32
    %get3A_674 = arith.index_cast %get3A_672 : i32 to index
    %get3A_675 = arith.index_cast %get3A_673 : i32 to index
    %get3A_676 = arith.constant 80 : index
    %get3A_677 = tpu.vector_load %arg8[%get3A_674, %get3A_675, %get3A_676] {strides = array<i32>} : memref<4x2x128xf32, #tpu.memory_space<vmem>>, vector<16xf32>,
    %add3A_678 = arith.addf %get3A_671, %get3A_677 : vector<16xf32>
    %get3A_679 = arith.constant 2 : i32
    %get3A_680 = arith.constant 1 : i32
    %get3A_681 = arith.index_cast %get3A_679 : i32 to index
    %get3A_682 = arith.index_cast %get3A_680 : i32 to index
    %get3A_683 = arith.constant 80 : index
    %get3A_684 = tpu.vector_load %arg8[%get3A_681, %get3A_682, %get3A_683] {strides = array<i32>} : memref<4x2x128xf32, #tpu.memory_space<vmem>>, vector<16xf32>,
    %add3A_685 = arith.addf %add3A_678, %get3A_684 : vector<16xf32>
    %get3A_686 = arith.constant 3 : i32
    %get3A_687 = arith.constant 1 : i32
    %get3A_688 = arith.index_cast %get3A_686 : i32 to index
    %get3A_689 = arith.index_cast %get3A_687 : i32 to index
    %get3A_690 = arith.constant 80 : index
    %get3A_691 = tpu.vector_load %arg8[%get3A_688, %get3A_689, %get3A_690] {strides = array<i32>} : memref<4x2x128xf32, #tpu.memory_space<vmem>>, vector<16xf32>,
    %add3A_692 = arith.addf %add3A_685, %get3A_691 : vector<16xf32>
    %div3A_693 = vector.broadcast %convert_element_type3A_491 : f32 to vector<16xf32>
    %div3A_694 = arith.divf %add3A_692, %div3A_693 : vector<16xf32>
    %select_n3A_695 = arith.select %eq3A_493, %broadcast_in_dim3A_495, %div3A_694 : vector<16xf32>
    %swap3A_696 = arith.constant 1 : i32
    %swap3A_697 = arith.index_cast %swap3A_696 : i32 to index
    %swap3A_698 = arith.constant 80 : index
    %swap3A_699 = tpu.vector_load %arg9[%swap3A_697, %swap3A_698] {strides = array<i32>} : memref<2x128xf32, #tpu.memory_space<vmem>>, vector<16xf32>,
    tpu.vector_store %arg9[%swap3A_697, %swap3A_698], %select_n3A_695 {strides = array<i32>} : memref<2x128xf32, #tpu.memory_space<vmem>>, vector<16xf32>,
    %get3A_700 = arith.constant 0 : i32
    %get3A_701 = arith.constant 1 : i32
    %get3A_702 = arith.index_cast %get3A_700 : i32 to index
    %get3A_703 = arith.index_cast %get3A_701 : i32 to index
    %get3A_704 = arith.constant 96 : index
    %get3A_705 = tpu.vector_load %arg8[%get3A_702, %get3A_703, %get3A_704] {strides = array<i32>} : memref<4x2x128xf32, #tpu.memory_space<vmem>>, vector<16xf32>,
    %get3A_706 = arith.constant 1 : i32
    %get3A_707 = arith.constant 1 : i32
    %get3A_708 = arith.index_cast %get3A_706 : i32 to index
    %get3A_709 = arith.index_cast %get3A_707 : i32 to index
    %get3A_710 = arith.constant 96 : index
    %get3A_711 = tpu.vector_load %arg8[%get3A_708, %get3A_709, %get3A_710] {strides = array<i32>} : memref<4x2x128xf32, #tpu.memory_space<vmem>>, vector<16xf32>,
    %add3A_712 = arith.addf %get3A_705, %get3A_711 : vector<16xf32>
    %get3A_713 = arith.constant 2 : i32
    %get3A_714 = arith.constant 1 : i32
    %get3A_715 = arith.index_cast %get3A_713 : i32 to index
    %get3A_716 = arith.index_cast %get3A_714 : i32 to index
    %get3A_717 = arith.constant 96 : index
    %get3A_718 = tpu.vector_load %arg8[%get3A_715, %get3A_716, %get3A_717] {strides = array<i32>} : memref<4x2x128xf32, #tpu.memory_space<vmem>>, vector<16xf32>,
    %add3A_719 = arith.addf %add3A_712, %get3A_718 : vector<16xf32>
    %get3A_720 = arith.constant 3 : i32
    %get3A_721 = arith.constant 1 : i32
    %get3A_722 = arith.index_cast %get3A_720 : i32 to index
    %get3A_723 = arith.index_cast %get3A_721 : i32 to index
    %get3A_724 = arith.constant 96 : index
    %get3A_725 = tpu.vector_load %arg8[%get3A_722, %get3A_723, %get3A_724] {strides = array<i32>} : memref<4x2x128xf32, #tpu.memory_space<vmem>>, vector<16xf32>,
    %add3A_726 = arith.addf %add3A_719, %get3A_725 : vector<16xf32>
    %div3A_727 = vector.broadcast %convert_element_type3A_491 : f32 to vector<16xf32>
    %div3A_728 = arith.divf %add3A_726, %div3A_727 : vector<16xf32>
    %select_n3A_729 = arith.select %eq3A_493, %broadcast_in_dim3A_495, %div3A_728 : vector<16xf32>
    %swap3A_730 = arith.constant 1 : i32
    %swap3A_731 = arith.index_cast %swap3A_730 : i32 to index
    %swap3A_732 = arith.constant 96 : index
    %swap3A_733 = tpu.vector_load %arg9[%swap3A_731, %swap3A_732] {strides = array<i32>} : memref<2x128xf32, #tpu.memory_space<vmem>>, vector<16xf32>,
    tpu.vector_store %arg9[%swap3A_731, %swap3A_732], %select_n3A_729 {strides = array<i32>} : memref<2x128xf32, #tpu.memory_space<vmem>>, vector<16xf32>,
    %get3A_734 = arith.constant 0 : i32
    %get3A_735 = arith.constant 1 : i32
    %get3A_736 = arith.index_cast %get3A_734 : i32 to index
    %get3A_737 = arith.index_cast %get3A_735 : i32 to index
    %get3A_738 = arith.constant 112 : index
    %get3A_739 = tpu.vector_load %arg8[%get3A_736, %get3A_737, %get3A_738] {strides = array<i32>} : memref<4x2x128xf32, #tpu.memory_space<vmem>>, vector<16xf32>,
    %get3A_740 = arith.constant 1 : i32
    %get3A_741 = arith.constant 1 : i32
    %get3A_742 = arith.index_cast %get3A_740 : i32 to index
    %get3A_743 = arith.index_cast %get3A_741 : i32 to index
    %get3A_744 = arith.constant 112 : index
    %get3A_745 = tpu.vector_load %arg8[%get3A_742, %get3A_743, %get3A_744] {strides = array<i32>} : memref<4x2x128xf32, #tpu.memory_space<vmem>>, vector<16xf32>,
    %add3A_746 = arith.addf %get3A_739, %get3A_745 : vector<16xf32>
    %get3A_747 = arith.constant 2 : i32
    %get3A_748 = arith.constant 1 : i32
    %get3A_749 = arith.index_cast %get3A_747 : i32 to index
    %get3A_750 = arith.index_cast %get3A_748 : i32 to index
    %get3A_751 = arith.constant 112 : index
    %get3A_752 = tpu.vector_load %arg8[%get3A_749, %get3A_750, %get3A_751] {strides = array<i32>} : memref<4x2x128xf32, #tpu.memory_space<vmem>>, vector<16xf32>,
    %add3A_753 = arith.addf %add3A_746, %get3A_752 : vector<16xf32>
    %get3A_754 = arith.constant 3 : i32
    %get3A_755 = arith.constant 1 : i32
    %get3A_756 = arith.index_cast %get3A_754 : i32 to index
    %get3A_757 = arith.index_cast %get3A_755 : i32 to index
    %get3A_758 = arith.constant 112 : index
    %get3A_759 = tpu.vector_load %arg8[%get3A_756, %get3A_757, %get3A_758] {strides = array<i32>} : memref<4x2x128xf32, #tpu.memory_space<vmem>>, vector<16xf32>,
    %add3A_760 = arith.addf %add3A_753, %get3A_759 : vector<16xf32>
    %div3A_761 = vector.broadcast %convert_element_type3A_491 : f32 to vector<16xf32>
    %div3A_762 = arith.divf %add3A_760, %div3A_761 : vector<16xf32>
    %select_n3A_763 = arith.select %eq3A_493, %broadcast_in_dim3A_495, %div3A_762 : vector<16xf32>
    %swap3A_764 = arith.constant 1 : i32
    %swap3A_765 = arith.index_cast %swap3A_764 : i32 to index
    %swap3A_766 = arith.constant 112 : index
    %swap3A_767 = tpu.vector_load %arg9[%swap3A_765, %swap3A_766] {strides = array<i32>} : memref<2x128xf32, #tpu.memory_space<vmem>>, vector<16xf32>,
    tpu.vector_store %arg9[%swap3A_765, %swap3A_766], %select_n3A_763 {strides = array<i32>} : memref<2x128xf32, #tpu.memory_space<vmem>>, vector<16xf32>,
    %dma_start3A_768 = arith.constant 1 : i32
    %dma_start3A_769 = arith.constant 0 : i32
    %dma_start3A_770 = tpu.memref_slice %arg9[%dma_start3A_768, %dma_start3A_769] : memref<2x128xf32, #tpu.memory_space<vmem>> -> memref<1x128xf32, #tpu.memory_space<vmem>>
    %dma_start3A_771 = tpu.memref_squeeze %dma_start3A_770 : memref<1x128xf32, #tpu.memory_space<vmem>> -> memref<128xf32, #tpu.memory_space<vmem>>
    %dma_start3A_772 = arith.constant 0 : i32
    %dma_start3A_773 = tpu.memref_slice %arg4[%add3A, %add3A_480, %dma_start3A_772] : memref<8x8x128xf32, #tpu.memory_space<hbm>> -> memref<1x1x128xf32, #tpu.memory_space<hbm>>
    %dma_start3A_774 = tpu.memref_squeeze %dma_start3A_773 : memref<1x1x128xf32, #tpu.memory_space<hbm>> -> memref<128xf32, #tpu.memory_space<hbm>>
    %dma_start3A_775 = arith.constant 0 : i32
    %dma_start3A_776 = tpu.memref_slice %arg4[%add3A, %add3A_480, %dma_start3A_775] : memref<8x8x128xf32, #tpu.memory_space<hbm>> -> memref<1x1x128xf32, #tpu.memory_space<hbm>>
    %dma_start3A_777 = tpu.memref_squeeze %dma_start3A_776 : memref<1x1x128xf32, #tpu.memory_space<hbm>> -> memref<128xf32, #tpu.memory_space<hbm>>
    %dma_start3A_778 = arith.constant 0 : i32
    %dma_start3A_779 = tpu.memref_slice %arg9[%dma_start3A_768, %dma_start3A_778] : memref<2x128xf32, #tpu.memory_space<vmem>> -> memref<1x128xf32, #tpu.memory_space<vmem>>
    %dma_start3A_780 = tpu.memref_squeeze %dma_start3A_779 : memref<1x128xf32, #tpu.memory_space<vmem>> -> memref<128xf32, #tpu.memory_space<vmem>>
    tpu.enqueue_dma source(%dma_start3A_780 : memref<128xf32, #tpu.memory_space<vmem>>) target(%dma_start3A_777 : memref<128xf32, #tpu.memory_space<hbm>>) target_semaphore(%arg14 : memref<!tpu.dma_semaphore, #tpu.memory_space<semaphore_mem>>)
    %add3A_781 = arith.constant 0 : i32
    %add3A_782 = arith.addi %mul3A_66, %add3A_781 : i32
    %dma_wait3A_783 = arith.constant 0 : i32
    %dma_wait3A_784 = arith.constant 0 : i32
    %dma_wait3A_785 = tpu.memref_slice %arg9[%dma_wait3A_783, %dma_wait3A_784] : memref<2x128xf32, #tpu.memory_space<vmem>> -> memref<1x128xf32, #tpu.memory_space<vmem>>
    %dma_wait3A_786 = tpu.memref_squeeze %dma_wait3A_785 : memref<1x128xf32, #tpu.memory_space<vmem>> -> memref<128xf32, #tpu.memory_space<vmem>>
    %dma_wait3A_787 = arith.constant 0 : i32
    %dma_wait3A_788 = tpu.memref_slice %arg4[%add3A, %add3A_782, %dma_wait3A_787] : memref<8x8x128xf32, #tpu.memory_space<hbm>> -> memref<1x1x128xf32, #tpu.memory_space<hbm>>
    %dma_wait3A_789 = tpu.memref_squeeze %dma_wait3A_788 : memref<1x1x128xf32, #tpu.memory_space<hbm>> -> memref<128xf32, #tpu.memory_space<hbm>>
    %dma_wait3A_790 = arith.constant 0 : i32
    %dma_wait3A_791 = tpu.memref_slice %arg4[%add3A, %add3A_782, %dma_wait3A_790] : memref<8x8x128xf32, #tpu.memory_space<hbm>> -> memref<1x1x128xf32, #tpu.memory_space<hbm>>
    %dma_wait3A_792 = tpu.memref_squeeze %dma_wait3A_791 : memref<1x1x128xf32, #tpu.memory_space<hbm>> -> memref<128xf32, #tpu.memory_space<hbm>>
    %dma_wait3A_793 = arith.constant 0 : i32
    %dma_wait3A_794 = tpu.memref_slice %arg9[%dma_wait3A_783, %dma_wait3A_793] : memref<2x128xf32, #tpu.memory_space<vmem>> -> memref<1x128xf32, #tpu.memory_space<vmem>>
    %dma_wait3A_795 = tpu.memref_squeeze %dma_wait3A_794 : memref<1x128xf32, #tpu.memory_space<vmem>> -> memref<128xf32, #tpu.memory_space<vmem>>
    tpu.wait_dma2 semaphore(%arg14 : memref<!tpu.dma_semaphore, #tpu.memory_space<semaphore_mem>>) src(%dma_wait3A_795 : memref<128xf32, #tpu.memory_space<vmem>>) dst(%dma_wait3A_792 : memref<128xf32, #tpu.memory_space<hbm>>)
    %add3A_796 = arith.constant 1 : i32
    %add3A_797 = arith.addi %mul3A_66, %add3A_796 : i32
    %dma_wait3A_798 = arith.constant 1 : i32
    %dma_wait3A_799 = arith.constant 0 : i32
    %dma_wait3A_800 = tpu.memref_slice %arg9[%dma_wait3A_798, %dma_wait3A_799] : memref<2x128xf32, #tpu.memory_space<vmem>> -> memref<1x128xf32, #tpu.memory_space<vmem>>
    %dma_wait3A_801 = tpu.memref_squeeze %dma_wait3A_800 : memref<1x128xf32, #tpu.memory_space<vmem>> -> memref<128xf32, #tpu.memory_space<vmem>>
    %dma_wait3A_802 = arith.constant 0 : i32
    %dma_wait3A_803 = tpu.memref_slice %arg4[%add3A, %add3A_797, %dma_wait3A_802] : memref<8x8x128xf32, #tpu.memory_space<hbm>> -> memref<1x1x128xf32, #tpu.memory_space<hbm>>
    %dma_wait3A_804 = tpu.memref_squeeze %dma_wait3A_803 : memref<1x1x128xf32, #tpu.memory_space<hbm>> -> memref<128xf32, #tpu.memory_space<hbm>>
    %dma_wait3A_805 = arith.constant 0 : i32
    %dma_wait3A_806 = tpu.memref_slice %arg4[%add3A, %add3A_797, %dma_wait3A_805] : memref<8x8x128xf32, #tpu.memory_space<hbm>> -> memref<1x1x128xf32, #tpu.memory_space<hbm>>
    %dma_wait3A_807 = tpu.memref_squeeze %dma_wait3A_806 : memref<1x1x128xf32, #tpu.memory_space<hbm>> -> memref<128xf32, #tpu.memory_space<hbm>>
    %dma_wait3A_808 = arith.constant 0 : i32
    %dma_wait3A_809 = tpu.memref_slice %arg9[%dma_wait3A_798, %dma_wait3A_808] : memref<2x128xf32, #tpu.memory_space<vmem>> -> memref<1x128xf32, #tpu.memory_space<vmem>>
    %dma_wait3A_810 = tpu.memref_squeeze %dma_wait3A_809 : memref<1x128xf32, #tpu.memory_space<vmem>> -> memref<128xf32, #tpu.memory_space<vmem>>
    tpu.wait_dma2 semaphore(%arg14 : memref<!tpu.dma_semaphore, #tpu.memory_space<semaphore_mem>>) src(%dma_wait3A_810 : memref<128xf32, #tpu.memory_space<vmem>>) dst(%dma_wait3A_807 : memref<128xf32, #tpu.memory_space<hbm>>)
    return
  }
}

</mosaic_0001>

<sc_bundles>
// kernel: kernel.3.cloned.1.call-start
scs
__scs_entry_jumppad:
0x0: {  	(pc) =	sbr.rel $0x88, $3  }
0x1: {  	(tag) =	ssettag $0x0;
	lr =	simm.s32 $0x1  }
0x2: {  	[smem:$0x3F9F] =	sst lr;
	_ =	strace $0xD0000000  }
0x3: {  	_ = 	snop  }
0x4: {  	_ = 	snop  }
0x5: {  	_ = 	snop  }
0x6: {  	_ = 	snop  }
0x7: {  	_ = 	snop  }
__scs_overlays_trampoline_lowered:
0x8: {  	[smem:$0x3FAE] =	sst s0  }
0x9: {  	[smem:$0x3FAF] =	sst s1  }
0xa: {  	[smem:$0x3FB0] =	sst s2  }
0xb: {  	[smem:$0x3FB1] =	sst s3  }
0xc: {  	[smem:$0x3FB2] =	sst s4  }
0xd: {  	[smem:$0x3FB3] =	sst s5  }
0xe: {  	[smem:$0x3FB4] =	sst s6  }
0xf: {  	[smem:$0x3FB5] =	sst s7  }
0x10: {  	[smem:$0x3FB6] =	sst s8  }
0x11: {  	[smem:$0x3FB7] =	sst s9;
	s0 =	simm.s32 @!p0 $0x0  }
0x12: {  	s1 =	sld [smem:$0x3F9D];
	s0 =	simm.s32 @p0 $0x1  }
0x13: {  	[smem:$0x3FB8] =	sst s0;
	s0 =	simm.s32 @!p1 $0x0  }
0x14: {  	s2 =	sld [smem:$0x3F9C];
	s0 =	simm.s32 @p1 $0x1  }
0x15: {  	[smem:$0x3FB9] =	sst s0;
	s0 =	simm.s32 @!p2 $0x0  }
0x16: {  	s3 =	sld [smem:$0x3FDB];
	s0 =	simm.s32 @p2 $0x1  }
0x17: {  	s4 =	simm.s32 $0x1BF5;
	[smem:$0x3FBB] =	sst s0  }
0x18: {  	s0 =	sld [smem:$0x3F9E];
	_ =	swait.ge [sflag:s4], $0x0  }
0x19: {  	s7 =	sld [smem:$0x3F9F]  }
0x1a: {  	s8 =	sadd.s32 $0xFFFFE003, lr  }
0x1b: {  	s9 =	sadd.s32 $0xFFFFFEF7, lr;
	s5 =	simm.s32 $0xFFFFFFFF;
	p2 =	slt.u32 s8, $0xFFFFF086  }
0x1c: {  	p1 =	slt.u32 s9, $0xF7A;
	s5 =	simm.s32 @!p2 $0x0  }
0x1d: {  	s5 =	simm.s32 @p1 $0x1;
	p0 =	seq.s32 s7, s2  }
0x1e: {  	s7 =	smul.u32 @!p0 $0xF7A, s2;
	p2 =	seq.s32 @!p0 s5, $0x0  }
0x1f: {  	s9 =	smul.u32 $0xF7A, s1;
	s8 =	simm.s32 @!p0 $0x1BF5;
	p2 =	por !p2, p0  }
0x20: {  	[sflag:s8] =	ssyncset.s32 @!p0 $0xFFFFF086;
	s6 =	sadd.s32 @!p0 s3, s7;
	s7 =	simm.s32 @!p0 $0x108  }
0x21: {  	s3 =	sadd.s32 s3, s9;
	s6 =	sadd.s32 @!p0 $0x88, s6;
	s7 =	simm.s32 @p2 $0x1082  }
0x22: {  	[simem:s7], [sflag:s8] =	dma.local @!p0 [hbm:s6], $0xF7A  }
0x23: {  	s9 =	sor.u32 $0xD0000000, s2;
	s6 =	simm.s32 $0x108;
	_ =	swait.ge @!p0 [sflag:s8], $0x0  }
0x24: {  	s3 =	sadd.s32 $0x88, s3;
	s6 =	simm.s32 @!p1 $0x1082;
	[sflag:s4] =	ssyncset.s32 $0xFFFFF086  }
0x25: {  	[simem:s6], [sflag:s4] =	dma.local [hbm:s3], $0xF7A  }
0x26: {  	[smem:$0x3F9F] =	sst s1;
	(tag) =	ssettag s2;
	_ =	strace s9  }
0x27: {  	s1 =	sld [smem:$0x3FAF]  }
0x28: {  	s2 =	sld [smem:$0x3FB0]  }
0x29: {  	s4 =	sld [smem:$0x3FB2]  }
0x2a: {  	p0 =	seq.s32 s5, $0x0;
	s5 =	sld [smem:$0x3FB3]  }
0x2b: {  	s6 =	sld [smem:$0x3FB4]  }
0x2c: {  	s7 =	sld [smem:$0x3FB5]  }
0x2d: {  	s3 =	simm.s32 $0x108;
	s8 =	sld [smem:$0x3FB6]  }
0x2e: {  	s3 =	simm.s32 @!p0 $0x1082;
	s9 =	sld [smem:$0x3FB7]  }
0x2f: {  	lr =	sadd.s32 s0, s3;
	s0 =	sld [smem:$0x3FAE]  }
0x30: {  	s3 =	sld [smem:$0x3FB1]  }
0x31: {  	[smem:$0x3FBA] =	sst s10  }
0x32: {  	s10 =	sld [smem:$0x3FB8];
	_ =	sdelay $0x3  }
0x33: {  	p0 =	seq.s32 s10, $0x1;
	s10 =	sld [smem:$0x3FBA];
	_ =	sdelay $0x3  }
0x34: {  	[smem:$0x3FBA] =	sst s10  }
0x35: {  	s10 =	sld [smem:$0x3FB9];
	_ =	sdelay $0x3  }
0x36: {  	p1 =	seq.s32 s10, $0x1;
	s10 =	sld [smem:$0x3FBA];
	_ =	sdelay $0x3  }
0x37: {  	[smem:$0x3FBA] =	sst s10  }
0x38: {  	s10 =	sld [smem:$0x3FBB]  }
0x39: {  	_ = 	snop;
	(pc) =	sbr.ind lr, $3  }
0x3a: {  	_ = 	snop  }
0x3b: {  	_ = 	snop  }
0x3c: {  	p2 =	seq.s32 s10, $0x1;
	s10 =	sld [smem:$0x3FBA]  }
0x3d: {  	_ =	shalt  }
0x3e: {  	_ =	shalt  }
0x3f: {  	_ =	shalt  }
0x40: {  	_ =	shalt  }
0x41: {  	_ =	shalt  }
0x42: {  	_ =	shalt  }
0x43: {  	_ =	shalt  }
0x44: {  	_ =	shalt  }
0x45: {  	_ =	shalt  }
0x46: {  	_ =	shalt  }
0x47: {  	_ =	shalt  }
0x48: {  	_ =	shalt  }
0x49: {  	_ =	shalt  }
0x4a: {  	_ =	shalt  }
0x4b: {  	_ =	shalt  }
0x4c: {  	_ =	shalt  }
0x4d: {  	_ =	shalt  }
0x4e: {  	_ =	shalt  }
0x4f: {  	_ =	shalt  }
0x50: {  	_ =	shalt  }
0x51: {  	_ =	shalt  }
0x52: {  	_ =	shalt  }
0x53: {  	_ =	shalt  }
0x54: {  	_ =	shalt  }
0x55: {  	_ =	shalt  }
0x56: {  	_ =	shalt  }
0x57: {  	_ =	shalt  }
0x58: {  	_ =	shalt  }
0x59: {  	_ =	shalt  }
0x5a: {  	_ =	shalt  }
0x5b: {  	_ =	shalt  }
0x5c: {  	_ =	shalt  }
0x5d: {  	_ =	shalt  }
0x5e: {  	_ =	shalt  }
0x5f: {  	_ =	shalt  }
0x60: {  	_ =	shalt  }
0x61: {  	_ =	shalt  }
0x62: {  	_ =	shalt  }
0x63: {  	_ =	shalt  }
0x64: {  	_ =	shalt  }
0x65: {  	_ =	shalt  }
0x66: {  	_ =	shalt  }
0x67: {  	_ =	shalt  }
0x68: {  	_ =	shalt  }
0x69: {  	_ =	shalt  }
0x6a: {  	_ =	shalt  }
0x6b: {  	_ =	shalt  }
0x6c: {  	_ =	shalt  }
0x6d: {  	_ =	shalt  }
0x6e: {  	_ =	shalt  }
0x6f: {  	_ =	shalt  }
0x70: {  	_ =	shalt  }
0x71: {  	_ =	shalt  }
0x72: {  	_ =	shalt  }
0x73: {  	_ =	shalt  }
0x74: {  	_ =	shalt  }
0x75: {  	_ =	shalt  }
0x76: {  	_ =	shalt  }
0x77: {  	_ =	shalt  }
0x78: {  	_ =	shalt  }
0x79: {  	_ =	shalt  }
0x7a: {  	_ =	shalt  }
0x7b: {  	_ =	shalt  }
0x7c: {  	_ =	shalt  }
0x7d: {  	_ =	shalt  }
0x7e: {  	_ =	shalt  }
0x7f: {  	_ =	shalt  }
0x80: {  	_ =	shalt  }
0x81: {  	_ =	shalt  }
0x82: {  	_ =	shalt  }
0x83: {  	_ =	shalt  }
0x84: {  	_ =	shalt  }
0x85: {  	_ =	shalt  }
0x86: {  	_ =	shalt  }
0x87: {  	_ =	shalt  }
.Lfunc_end0:
.L_simem_size_0:
called_computation_lowered:
.L_overlay_start_0:
0x88: {  	s2 =	sld [smem:$0x3FD9]  }
0x89: {  	s3 =	sld [smem:$0x3FFE];
	_ =	sdelay $0x1  }
0x8a: {  	s1 =	srdreg.scid  }
0x8b: {  	s0 =	sand.u32 $0x1, s1  }
0x8c: {  	s17 =	sshll.u32 s0, $0xA;
	s2 =	sadd.s32 s3, s2  }
0x8d: {  	s2 =	sadd.s32 s2, s17  }
0x8e: {  	[smem:$0x3FC6] =	sst s2  }
0x8f: {  	_ = 	snop  }
0x90: {  	s2 =	sld [smem:$0x3FC9]  }
0x91: {  	s18 =	sld [smem:$0x3FD0];
	(tm) =	ssettm $0x1  }
0x92: {  	s4 =	sld [smem:$0x3FFB];
	_ =	sdelay $0x3  }
0x93: {  	_ =	strace s4  }
0x94: {  	s4 =	sld [smem:$0x3FFC];
	_ =	sdelay $0x3  }
0x95: {  	_ =	strace s4  }
0x96: {  	s4 =	sld [smem:$0x3FFD];
	_ =	sdelay $0x3  }
0x97: {  	_ =	strace s4  }
0x98: {  	_ =	strace $0x8FFFFFFF  }
0x99: {  	s19 =	sld [smem:$0x3FDB];
	_ =	sdelay $0x1  }
0x9a: {  	s5 =	simm.s32 $_scs_section_size  }
0x9b: {  	s6 =	simm.s32 $_size__tile_overlayer_lowered;
	s7 =	simm.s32 $_tile_overlayer_lowered  }
0x9c: {  	s22 =	simm.s32 $0x1BFF;
	s21 =	sshll.u32 s7, $0x1;
	s4 =	sadd.s32 s5, s19  }
0x9d: {  	s8 =	simm.s32 $0x0;
	s20 =	sshll.u32 s6, $0x1;
	s6 =	sadd.s32 s21, s4  }
0x9e: {  	[timem:s8], [sflag:s22] =	dma.local [hbm:s6], s20  }
0x9f: {  	_ =	swait.ge [sflag:s22], s20  }
0xa0: {  	s5 =	ssub.s32 $0x0, s20;
	[sflag:s22] =	ssyncset.done $0x0  }
0xa1: {  	[sflag:s22] =	ssyncadd.s32 s5;
	_ =	sdelay $0x1  }
0xa2: {  	s23 =	simm.s32 $0x1B8B  }
0xa3: {  	_ =	swait.ge [sflag:s23], $0x1  }
0xa4: {  	[sflag:s23] =	ssyncset.done $0x0  }
0xa5: {  	s25 =	simm.s32 $0x1B8E;
	s24 =	sld [smem:$0x3FFE];
	[sflag:s23] =	ssyncadd.s32 $0xFFFFFFFF  }
0xa6: {  	s26 =	simm.s32 $execute0_lowered;
	[smem:$0x3FD2] =	sst s25  }
0xa7: {  	s6 =	sshll.u32 s26, $0x1;
	_ =	strace $0x80000046;
	[dreg:$0x1] =	wrdreg $0xFFFFFFFF  }
0xa8: {  	s28 =	simm.s32 $_size_execute0_lowered;
	s4 =	sadd.s32 s4, s6;
	[dreg:$0x0] =	wrdreg $0x0  }
0xa9: {  	s6 =	sshll.u32 s28, $0x1;
	[dreg:$0x2] =	wrdreg s4  }
0xaa: {  	[dreg:$0x3] =	wrdreg s6  }
0xab: {  	[dreg:$0x4] =	wrdreg $0xC0  }
0xac: {  	_ =	task [dreg:s8], $0x5FFFF  }
0xad: {  	[dreg:$0x1] =	wrdreg $0xFFFFFFFF  }
0xae: {  	[dreg:$0x0] =	wrdreg $0x60  }
0xaf: {  	[dreg:$0x2] =	wrdreg s2  }
0xb0: {  	[dreg:$0x3] =	wrdreg s24  }
0xb1: {  	[dreg:$0x4] =	wrdreg s18  }
0xb2: {  	[dreg:$0x5] =	wrdreg $0x109100  }
0xb3: {  	[dreg:$0x6] =	wrdreg $0x9  }
0xb4: {  	_ =	task.clear_ibuf [dreg:s8], $0x7FFFF;
	_ =	strace $0x90000046  }
0xb5: {  	s29 =	simm.s32 $0x9;
	_ =	strace $0x80000048  }
0xb6: {  	_ =	swait.ge [sflag:s29], $0x1  }
0xb7: {  	[sflag:s29] =	ssyncadd.s32 $0xFFFFFFFF  }
0xb8: {  	_ =	strace $0x90000048  }
0xb9: {  	_ =	sfence  }
0xba: {  	s30 =	sld [smem:$0x0];
	_ =	sdelay $0x2  }
0xbb: {  	s31 =	sshll.u32 s1, $0xD;
	s1 =	sshrl.u32 s1, $0x2  }
0xbc: {  	s3 =	sand.u32 $0x4000, s31;
	s1 =	sadd.s32 s1, s30  }
0xbd: {  	s0 =	sor.u32 s3, s0;
	s1 =	sshll.u32 s1, $0x11  }
0xbe: {  	s0 =	sor.u32 s1, s0  }
0xbf: {  	s0 =	sadd.s32 $0x8F2B, s0  }
0xc0: {  	[sflag:s0] =	ssyncadd.remote.s32 $0x1  }
0xc1: {  	_ =	sfence.sel $0xFFFF  }
0xc2: {  	[dreg:$0x0] =	wrdreg $0xFFFFFFFF;
	(pc) =	sbr.abs _section_cstart, $3  }
0xc3: {  	[dreg:$0x1] =	wrdreg $0xFFFFFFFF  }
0xc4: {  	_ =	task.clear_ibuf [dreg:s8], $0x2FFFF;
	_ =	strace $0x9FFFFFFF  }
0xc5: {  	(tm) =	ssettm $0x7FFFFFFF  }
tec
execute0_lowered:
.L_overlay_start_1:
0x0: {  	(tag) =	ssettag $0x1  }
0x1: {  	s0 =	rddreg [dreg:$0x0]  }
0x2: {  	s3 =	rddreg [dreg:$0x1]  }
0x3: {  	s1 =	srdreg.scid;
	s10 =	rddreg [dreg:$0x2]  }
0x4: {  	s14 =	stileid.u32;
	s9 =	rddreg [dreg:$0x3]  }
0x5: {  	s15 =	simm.s32 $0x8010;
	s16 =	simm.s32 $0x3;
	s18 =	simm.s32 $0x5  }
0x6: {  	s19 =	simm.s32 $0x100;
	s21 =	simm.s32 $0x10410;
	s22 =	simm.s32 $0x10810  }
0x7: {  	s1 =	sand.u32 $0x1, s1;
	s8 =	sshrl.u32 s14, $0x2;
	s12 =	sand.u32 $0x3, s14  }
0x8: {  	s25 =	sshll.u32 s14, $0xA;
	s14 =	simm.s32 $0x2;
	s2 =	sshll.u32 s1, $0x2  }
0x9: {  	s1 =	ssub.s32 $0x2, s1;
	s17 =	sshll.u32 s12, $0x9;
	s24 =	sshll.u32 s12, $0xD  }
0xa: {  	s13 =	sshll.u32 s12, $0x1;
	s26 =	sshll.u32 s12, $0x8;
	s12 =	sshllo.u32 s12, $0x1  }
0xb: {  	s11 =	sor.u32 s8, s2;
	s2 =	simm.s32 $0x0;
	s7 =	sshrl.u32 s1, $0x1  }
0xc: {  	s8 =	sshll.u32 s8, $0xC;
	s29 =	sshll.u32 s12, $0x7;
	v0 =	vmov s17;
	s17 =	simm.s32 $0x10010  }
0xd: {  	s5 =	sshll.u32 s11, $0x3;
	[smem:$0x7FF] =	sst s2;
	s1 =	ssub.s32 s1, s7  }
0xe: {  	s23 =	sshll.u32 s11, $0xF;
	s7 =	sadd.s32 s25, s9;
	s11 =	sshll.u32 s11, $0xA  }
0xf: {  	s8 =	sadd.s32 s8, s9;
	s25 =	simm.s32 $0x0;
	s6 =	smin.u32 s5, $0x30  }
0x10: {  	_ =	strace $0x80000047;
	s28 =	sor.u32 s26, s11;
	s8 =	sadd.s32 s26, s8  }
0x11: {  	s11 =	sor.u32 s11, s29;
	s4 =	sshrl.u32 s6, $0x3;
	s5 =	ssub.s32 s5, s6  }
0x12: {  	s30 =	sshrl.u32 s28, $0x3;
	s31 =	sshrl.u32 s11, $0x3;
	s11 =	smax.u32 s1, $0x1  }
.Ltmp0:
0x13: {  	s3 =	sadd.s32 s4, s3;
	s4 =	sor.u32 s24, s23;
	(pc) =	sbr.rel .LBB2_1-.Ltmp0, $4  }
0x14: {  	s20 =	sor.u32 s13, s5;
	s9 =	sadd.s32 s10, s30;
	s12 =	sor.u32 s12, s5  }
0x15: {  	s10 =	sadd.s32 s10, s31;
	p0 =	sgt.s32 s5, $0x0;
	s13 =	simm.s32 $0x1  }
0x16: {  	v1 =	vlaneseq.u32;
	s23 =	simm.s32 $0x10890;
	s24 =	simm.s32 $0x4;
	s4 =	sadd.s32 s0, s4;
	v2 =	vmov s20;
	v3 =	vmov s12  }
0x17: {  	vm0 =	vcmask $0x1B20;
	s3 =	sadd.s32 $0x400, s3;
	s20 =	simm.s32 $0x400;
	s6 =	sadd.s32 $0x1000, s4;
	vm1 =	veq.s32 v3, v1;
	vm2 =	veq.s32 v2, v1  }
.LBB2_19:
0x18: {  	[spmem:s7] =	stream.linear.scatter [tilespmem:s17], [sflag:$0x5], $0x400, $0x38;
	[tilespmem:$0x10D10] =	vst v63  }
0x19: {  	_ =	swait.ge [sflag:s18], $0x400  }
0x1a: {  	[sflag:s18] =	ssyncset.done $0x0  }
0x1b: {  	[sflag:s18] =	ssyncadd.s32 $0xFFFFFC00  }
0x1c: {  	[bflag:$0x0] =	sbarrier.arrive $0xFFFF  }
0x1d: {  	v2 =	vsub.s32 v2, v3;
	[tilespmem:s21], [sflag:$0x5] =	stream.strided.gather [spmem:s8], $0x400, s20, s19, $0x38;
	[tilespmem:$0x10D10] =	vst v63  }
0x1e: {  	v3 =	vnsel vm2, $0x0, v2;
	_ =	swait.ge [sflag:s18], $0x400  }
0x1f: {  	(xrf0) =	vadd.scan.msk.s32 $0xffff, v3;
	_ =	sdelay $0x4  }
0x20: {  	[sflag:s18] =	ssyncset.done $0x0  }
0x21: {  	[sflag:s18] =	ssyncadd.s32 $0xFFFFFC00;
	v3, _, _ =	vpop (xrf0)  }
0x22: {  	v4 =	vld [tilespmem:$0x10510];
	(v2sf) =	vpush v3, $0xF  }
0x23: {  	v5 =	vld [tilespmem:$0x10610]  }
0x24: {  	v6 =	vld [tilespmem:$0x10710]  }
0x25: {  	v7 =	vld [tilespmem:$0x10420]  }
0x26: {  	v8 =	vld [tilespmem:$0x10520]  }
0x27: {  	v9 =	vld [tilespmem:$0x10620]  }
0x28: {  	v10 =	vld [tilespmem:$0x10720]  }
0x29: {  	v11 =	vld [tilespmem:$0x10430]  }
0x2a: {  	v12 =	vld [tilespmem:$0x10530]  }
0x2b: {  	v13 =	vld [tilespmem:$0x10630]  }
0x2c: {  	v14 =	vld [tilespmem:$0x10730]  }
0x2d: {  	v15 =	vld [tilespmem:$0x10440]  }
0x2e: {  	v16 =	vld [tilespmem:$0x10540]  }
0x2f: {  	v17 =	vld [tilespmem:$0x10640]  }
0x30: {  	v18 =	vld [tilespmem:$0x10740]  }
0x31: {  	v20 =	vld [tilespmem:$0x10450];
	s0 =	spop (v2sf)  }
0x32: {  	v42 =	vld [tilespmem:$0x10550];
	p2 =	sgt.s32 s0, $0x1  }
0x33: {  	v21 =	vld [tilespmem:$0x10650];
	p1 =	seq.s32 s0, $0x0;
	s0 =	simm.s32 @!p2 $0x1  }
0x34: {  	v22 =	vld [tilespmem:$0x10750];
	s0 =	scvt.s32.f32 s0  }
0x35: {  	v3 =	vld [tilespmem:$0x10410]  }
0x36: {  	v23 =	vld [tilespmem:$0x10460];
	v19 =	vmov s0  }
0x37: {  	v45 =	vld [tilespmem:$0x10470];
	(erf) = vrcp.f32 v19  }
0x38: {  	v47 =	vld [tilespmem:$0x10570]  }
0x39: {  	v43 =	vld [tilespmem:$0x10560]  }
0x3a: {  	v24 =	vld [tilespmem:$0x10660];
	v7 =	vadd.f32 v8, v7;
	v3 =	vadd.f32 v4, v3  }
0x3b: {  	v53 =	vld [tilespmem:$0x10670];
	v46 =	vadd.f32 v12, v11;
	v49 =	vadd.f32 v16, v15  }
0x3c: {  	v50 =	vld [tilespmem:$0x10480];
	v54 =	vadd.f32 v42, v20;
	v3 =	vadd.f32 v5, v3  }
0x3d: {  	v51 =	vld [tilespmem:$0x10580];
	v8 =	vadd.f32 v47, v45;
	v7 =	vadd.f32 v9, v7  }
0x3e: {  	v44 =	vld [tilespmem:$0x10760];
	v3 =	vadd.f32 v6, v3;
	v6 =	vadd.f32 v13, v46  }
0x3f: {  	v55 =	vld [tilespmem:$0x10680];
	v52 =	vadd.f32 v17, v49;
	v4 =	vadd.f32 v43, v23  }
0x40: {  	v2 =	vnsel vm1, $0x0, v2;
	v56 =	vld [tilespmem:$0x10770];
	v8 =	vadd.f32 v53, v8;
	v6 =	vadd.f32 v14, v6;
	v48 =	vpop (erf)  }
0x41: {  	v57 =	vld [tilespmem:$0x10780];
	v4 =	vadd.f32 v24, v4;
	v14 =	vadd.f32 v21, v54;
	v3 =	vmul.f32 v3, v48  }
0x42: {  	v7 =	vadd.f32 v10, v7;
	v13 =	vadd.f32 v51, v50;
	v6 =	vmul.f32 v6, v48  }
0x43: {  	v4 =	vadd.f32 v44, v4;
	v58 =	vadd.f32 v22, v14;
	v3 =	vpsel p1, $0xBF800000, v3  }
0x44: {  	v60 =	vadd.f32 v55, v13;
	v7 =	vmul.f32 v7, v48;
	[tilespmem:$0x10810] =	vst v3;
	v3 =	vpsel p1, $0xBF800000, v6  }
0x45: {  	v10 =	vadd.f32 v18, v52;
	v61 =	vadd.f32 v56, v8;
	[tilespmem:$0x10830] =	vst v3;
	v3 =	vmul.f32 v58, v48  }
0x46: {  	v5 =	vadd.f32 v57, v60;
	v4 =	vmul.f32 v4, v48;
	v7 =	vpsel p1, $0xBF800000, v7  }
0x47: {  	(xrf0) =	vadd.scan.msk.s32 $0xffff, v2;
	[tilespmem:$0x10820] =	vst v7;
	v2 =	vpsel p1, $0xBF800000, v3;
	v3 =	vmul.f32 v61, v48  }
0x48: {  	v59 =	vmul.f32 v10, v48;
	v62 =	vmul.f32 v5, v48;
	[tilespmem:$0x10850] =	vst v2;
	v2 =	vpsel p1, $0xBF800000, v4  }
0x49: {  	[tilespmem:$0x10860] =	vst v2;
	v2 =	vpsel p1, $0xBF800000, v3  }
0x4a: {  	v7 =	vpsel p1, $0xBF800000, v59;
	[tilespmem:$0x10870] =	vst v2;
	v2 =	vpsel p1, $0xBF800000, v62  }
0x4b: {  	[tilespmem:$0x10840] =	vst v7  }
0x4c: {  	[tilespmem:$0x10880] =	vst v2  }
0x4d: {  	[hbm4b:s9+s2] =	stream.linear.scatter [tilespmem:s22], [sflag:$0x4], $0x80, $0x38;
	v2, _, _ =	vpop (xrf0);
	[tilespmem:$0x10D10] =	vst v63  }
0x4e: {  	v3 =	vld [tilespmem:$0x10590];
	(v2sf) =	vpush v2, $0xF  }
0x4f: {  	v63 =	vld [tilespmem:$0x10690]  }
0x50: {  	v24 =	vld [tilespmem:$0x10790]  }
0x51: {  	v25 =	vld [tilespmem:$0x104A0]  }
0x52: {  	v26 =	vld [tilespmem:$0x105A0]  }
0x53: {  	v27 =	vld [tilespmem:$0x106A0]  }
0x54: {  	v28 =	vld [tilespmem:$0x107A0]  }
0x55: {  	v29 =	vld [tilespmem:$0x104B0]  }
0x56: {  	v30 =	vld [tilespmem:$0x105B0]  }
0x57: {  	v31 =	vld [tilespmem:$0x106B0]  }
0x58: {  	v32 =	vld [tilespmem:$0x107B0]  }
0x59: {  	v33 =	vld [tilespmem:$0x104C0]  }
0x5a: {  	v34 =	vld [tilespmem:$0x105C0]  }
0x5b: {  	v35 =	vld [tilespmem:$0x106C0]  }
0x5c: {  	v36 =	vld [tilespmem:$0x107C0]  }
0x5d: {  	v37 =	vld [tilespmem:$0x104D0];
	s0 =	spop (v2sf)  }
0x5e: {  	v38 =	vld [tilespmem:$0x105D0];
	p2 =	sgt.s32 s0, $0x1  }
0x5f: {  	v45 =	vld [tilespmem:$0x104F0];
	p6 =	seq.s32 s0, $0x0;
	s0 =	simm.s32 @!p2 $0x1  }
0x60: {  	v47 =	vld [tilespmem:$0x105F0];
	s0 =	scvt.s32.f32 s0  }
0x61: {  	v2 =	vld [tilespmem:$0x10490]  }
0x62: {  	v49 =	vld [tilespmem:$0x10500];
	v41 =	vmov s0  }
0x63: {  	v51 =	vld [tilespmem:$0x10600];
	(erf) = vrcp.f32 v41  }
0x64: {  	v39 =	vld [tilespmem:$0x106D0]  }
0x65: {  	v42 =	vld [tilespmem:$0x104E0];
	v6 =	vadd.f32 v26, v25;
	v46 =	vadd.f32 v30, v29  }
0x66: {  	v48 =	vadd.f32 v34, v33;
	v2 =	vadd.f32 v3, v2;
	v3 =	vld [tilespmem:$0x105E0]  }
0x67: {  	v52 =	vld [tilespmem:$0x106F0];
	v50 =	vadd.f32 v38, v37;
	v8 =	vadd.f32 v47, v45  }
0x68: {  	v43 =	vld [tilespmem:$0x106E0];
	v57 =	vadd.f32 v51, v49;
	v6 =	vadd.f32 v27, v6  }
0x69: {  	v40 =	vld [tilespmem:$0x107D0];
	v5 =	vadd.f32 v31, v46;
	v2 =	vadd.f32 v63, v2  }
0x6a: {  	v44 =	vld [tilespmem:$0x107E0];
	v9 =	vadd.f32 v35, v48;
	v12 =	vadd.f32 v39, v50  }
0x6b: {  	v53 =	vld [tilespmem:$0x10700];
	v2 =	vadd.f32 v24, v2;
	v3 =	vadd.f32 v3, v42  }
0x6c: {  	v55 =	vld [tilespmem:$0x107F0];
	v8 =	vadd.f32 v52, v8;
	v6 =	vadd.f32 v28, v6;
	v54 =	vpop (erf)  }
0x6d: {  	v56 =	vld [tilespmem:$0x10800];
	v5 =	vadd.f32 v32, v5;
	v3 =	vadd.f32 v43, v3;
	v2 =	vmul.f32 v2, v54  }
0x6e: {  	v9 =	vadd.f32 v36, v9;
	v12 =	vadd.f32 v40, v12;
	v6 =	vmul.f32 v6, v54  }
0x6f: {  	v3 =	vadd.f32 v44, v3;
	v5 =	vmul.f32 v5, v54;
	v2 =	vpsel p6, $0xBF800000, v2  }
0x70: {  	v59 =	vmul.f32 v9, v54;
	v58 =	vpsel p6, $0xBF800000, v6;
	[tilespmem:$0x10890] =	vst v2;
	v2 =	vadd.f32 v53, v57  }
0x71: {  	v60 =	vadd.f32 v55, v8;
	v61 =	vmul.f32 v12, v54;
	v5 =	vpsel p6, $0xBF800000, v5;
	[tilespmem:$0x108A0] =	vst v58  }
0x72: {  	v3 =	vmul.f32 v3, v54;
	v62 =	vpsel p6, $0xBF800000, v59;
	[tilespmem:$0x108B0] =	vst v5;
	v2 =	vadd.f32 v56, v2  }
0x73: {  	v4 =	vmul.f32 v60, v54;
	v63 =	vpsel p6, $0xBF800000, v61;
	[tilespmem:$0x108C0] =	vst v62  }
0x74: {  	v3 =	vpsel p6, $0xBF800000, v3;
	[tilespmem:$0x108D0] =	vst v63;
	v2 =	vmul.f32 v2, v54  }
0x75: {  	[tilespmem:$0x108E0] =	vst v3;
	v3 =	vpsel p6, $0xBF800000, v4  }
0x76: {  	[tilespmem:$0x108F0] =	vst v3;
	v2 =	vpsel p6, $0xBF800000, v2  }
0x77: {  	s25 =	sadd.s32 $0x1, s25;
	[tilespmem:$0x10900] =	vst v2  }
0x78: {  	[hbm4b:s10+s2] =	stream.linear.scatter [tilespmem:s23], [sflag:$0x4], $0x80, $0x38;
	[tilespmem:$0x10D10] =	vst v63  }
0x79: {  	p1 =	sne.s32 s25, s11;
	_ =	swait.ge [sflag:s24], $0x80  }
.Ltmp1:
0x7a: {  	[sflag:s24] =	ssyncset.done $0x0;
	(pc) =	sbr.rel @!p1 .LBB2_20-.Ltmp1, $4  }
0x7b: {  	[sflag:s24] =	ssyncadd.s32 $0xFFFFFF80  }
0x7c: {  	_ =	swait.ge [sflag:s24], $0x80  }
0x7d: {  	[sflag:s24] =	ssyncset.done $0x0  }
0x7e: {  	[sflag:s24] =	ssyncadd.s32 $0xFFFFFF80  }
.LBB2_1:
0x7f: {  	[tilespmem:s2], [sflag:$0x1] =	stream.linear.gather [hbm4b:s3+s2], $0x10, $0x38;
	[tilespmem:$0x10D10] =	vst v63  }
0x80: {  	s0 =	simm.s32 $0x10  }
0x81: {  	[tilespmem:s0], [sflag:$0x2] =	stream.linear.gather [hbm4b:s4+s2], $0x8000, $0x38;
	[tilespmem:$0x10D10] =	vst v63  }
0x82: {  	_ =	swait.ge [sflag:s13], $0x10  }
0x83: {  	[sflag:s13] =	ssyncset.done $0x0  }
0x84: {  	[sflag:s13] =	ssyncadd.s32 $0xFFFFFFF0  }
0x85: {  	v2 =	vld [tilespmem:$0x0];
	_ =	sdelay $0x4  }
0x86: {  	(xrf0) =	vadd.scan.msk.s32 $0xffff, v2;
	_ =	sdelay $0x5  }
0x87: {  	v3, _, _ =	vpop (xrf0)  }
0x88: {  	v4 =	vsel vm0, $0x0, v3  }
0x89: {  	(xrf0) =	vadd.scan.msk.s32 $0xffff, v4;
	_ =	sdelay $0x5  }
0x8a: {  	v4, _, _ =	vpop (xrf0)  }
0x8b: {  	(v2sf) =	vpush v4, $0xF;
	_ =	sdelay $0xe  }
0x8c: {  	s0 =	spop (v2sf)  }
0x8d: {  	s0 =	simm.s32 @!p0 $0x0  }
0x8e: {  	v4 =	vmov s0  }
0x8f: {  	v3 =	vsub.s32 v3, v4  }
0x90: {  	v4 =	vsub.s32 v3, v2  }
0x91: {  	vm3 =	vlt.s32 v3, $0x800;
	vm4 =	vlt.s32 v4, $0x800  }
.Ltmp2:
0x92: {  	v2 =	vnsel vm3, $0x800, v3;
	v3 =	vnsel vm4, $0x800, v4;
	(pc) =	sbr.rel .LBB2_2-.Ltmp2, $4  }
0x93: {  	_ =	swait.ge [sflag:s14], $0x8000;
	v5 =	vsub.s32 v2, v0;
	v4 =	vsub.s32 v3, v0  }
0x94: {  	[sflag:s14] =	ssyncset.done $0x0;
	vm15 =	vgt.s32 v5, $0x0;
	vm3 =	vgt.s32 v4, $0x0  }
0x95: {  	s26 =	simm.s32 $0x0;
	[sflag:s14] =	ssyncadd.s32 $0xFFFF8000;
	v5 =	vnsel vm15, $0x0, v5;
	v4 =	vnsel vm3, $0x0, v4  }
0x96: {  	[tilespmem:s15], [sflag:$0x3] =	stream.linear.gather [hbm4b:s6+s2], $0x8000, $0x38;
	v5 =	vmin.u32 v5, $0x200;
	v4 =	vmin.u32 v4, $0x200;
	[tilespmem:$0x10D10] =	vst v63  }
.LBB2_9:
0x97: {  	s0 =	sshll.u32 s26, $0x7  }
0x98: {  	s0 =	sand.u32 $0x3FFFFF80, s0  }
0x99: {  	[tilespmem:s0+$0x10010] =	vst v10  }
0x9a: {  	s26 =	sadd.s32 $0x1, s26;
	[tilespmem:s0+$0x10020] =	vst v11  }
0x9b: {  	p1 =	sne.s32 s26, $0x8;
	[tilespmem:s0+$0x10030] =	vst v12  }
.Ltmp3:
0x9c: {  	[tilespmem:s0+$0x10040] =	vst v13;
	(pc) =	sbr.rel @!p1 .LBB2_10-.Ltmp3, $4  }
0x9d: {  	[tilespmem:s0+$0x10050] =	vst v6  }
0x9e: {  	[tilespmem:s0+$0x10060] =	vst v7  }
0x9f: {  	[tilespmem:s0+$0x10070] =	vst v8  }
0xa0: {  	[tilespmem:s0+$0x10080] =	vst v9  }
.LBB2_2:
0xa1: {  	s0 =	sor.u32 s5, s26  }
0xa2: {  	v6 =	vmov s0  }
0xa3: {  	vm3 =	veq.s32 v6, v1  }
0xa4: {  	v6 =	vnsel vm3, $0x0, v4  }
0xa5: {  	(xrf0) =	vadd.scan.msk.s32 $0xffff, v6;
	v6 =	vnsel vm3, $0x0, v5  }
0xa6: {  	(xrf0) =	vadd.scan.msk.s32 $0xffff, v6;
	_ =	sdelay $0x4  }
0xa7: {  	v6, _, _ =	vpop (xrf0)  }
0xa8: {  	(v2sf) =	vpush v6, $0xF;
	v6, _, _ =	vpop (xrf0)  }
0xa9: {  	(v2sf) =	vpush v6, $0xF;
	_ =	sdelay $0xd  }
0xaa: {  	s0 =	spop (v2sf)  }
0xab: {  	s28 =	spop (v2sf)  }
0xac: {  	p1 =	slt.s32 s0, $0x100;
	p2 =	slt.s32 s28, $0x100  }
0xad: {  	s0 =	simm.s32 @!p1 $0x100;
	s28 =	simm.s32 @!p2 $0x100  }
0xae: {  	s29 =	ssub.s32 s28, s0  }
0xaf: {  	s1 =	sshra.s32 s29, $0x1F  }
0xb0: {  	s1 =	sshrl.u32 s1, $0x1D  }
0xb1: {  	s1 =	sadd.s32 s1, s29  }
0xb2: {  	s30 =	sand.u32 $0xFFFFFFF8, s1  }
0xb3: {  	s31 =	sadd.s32 s0, s30  }
0xb4: {  	p1 =	sge.s32 s0, s31  }
.Ltmp4:
0xb5: {  	_ = 	snop;
	(pc) =	sbr.rel @p1 .LBB2_6-.Ltmp4, $4  }
0xb6: {  	_ = 	snop  }
0xb7: {  	v10 =	vimm.f32 $0.0e+00;
	v11 =	vimm.f32 $0.0e+00  }
0xb8: {  	v12 =	vimm.f32 $0.0e+00;
	v13 =	vimm.f32 $0.0e+00;
	v7 =	vimm.f32 $0.0e+00  }
0xb9: {  	v8 =	vimm.f32 $0.0e+00;
	v9 =	vimm.f32 $0.0e+00;
	v6 =	vimm.f32 $0.0e+00  }
0xba: {  	s1 =	sshll.u32 s0, $0x9  }
0xbb: {  	s1 =	sshra.s32 s1, $0x2  }
0xbc: {  	s12 =	sadd.s32 $0x210, s1  }
0xbd: {  	v10 =	vld [tilespmem:s12+$0x180]  }
0xbe: {  	v11 =	vld [tilespmem:s12+$0x190]  }
0xbf: {  	v12 =	vld [tilespmem:s12+$0x1A0]  }
0xc0: {  	v13 =	vld [tilespmem:s12+$0x1B0]  }
0xc1: {  	v6 =	vld [tilespmem:s12+$0x1C0]  }
0xc2: {  	v7 =	vld [tilespmem:s12+$0x1D0]  }
0xc3: {  	v15 =	vld [tilespmem:s12+$0x100]  }
0xc4: {  	v16 =	vld [tilespmem:s12+$0x110]  }
0xc5: {  	v17 =	vld [tilespmem:s12+$0x120]  }
0xc6: {  	v18 =	vld [tilespmem:s12+$0x130]  }
0xc7: {  	v8 =	vld [tilespmem:s12+$0x140]  }
0xc8: {  	v9 =	vld [tilespmem:s12+$0x150]  }
0xc9: {  	v19 =	vld [tilespmem:s12+$0x80]  }
0xca: {  	v20 =	vld [tilespmem:s12+$0x90]  }
0xcb: {  	v21 =	vld [tilespmem:s12+$0xA0]  }
0xcc: {  	v22 =	vld [tilespmem:s12+$0xB0]  }
0xcd: {  	v24 =	vld [tilespmem:s12+$0xC0]  }
0xce: {  	v25 =	vld [tilespmem:s12+$0xD0]  }
0xcf: {  	v23 =	vld [tilespmem:s12+$0x0]  }
0xd0: {  	v26 =	vld [tilespmem:s12+$0x10]  }
0xd1: {  	v27 =	vld [tilespmem:s12+$0x20]  }
0xd2: {  	v28 =	vld [tilespmem:s12+$0x30]  }
0xd3: {  	v29 =	vld [tilespmem:s12+$0x40]  }
0xd4: {  	v30 =	vld [tilespmem:s12+$0x50]  }
0xd5: {  	v31 =	vld [tilespmem:s12+$0xFFFFFF80]  }
0xd6: {  	v32 =	vld [tilespmem:s12+$0xFFFFFF90]  }
0xd7: {  	v33 =	vld [tilespmem:s12+$0xFFFFFF00]  }
0xd8: {  	v34 =	vld [tilespmem:s12+$0xFFFFFF10]  }
0xd9: {  	v35 =	vld [tilespmem:s12+$0xFFFFFE80]  }
0xda: {  	v36 =	vld [tilespmem:s12+$0xFFFFFE90]  }
0xdb: {  	v37 =	vld [tilespmem:s12+$0xFFFFFE00]  }
0xdc: {  	v38 =	vld [tilespmem:s12+$0xFFFFFE10]  }
0xdd: {  	v39 =	vld [tilespmem:s12+$0xFFFFFE20]  }
0xde: {  	v40 =	vld [tilespmem:s12+$0xFFFFFE30]  }
0xdf: {  	v41 =	vld [tilespmem:s12+$0xFFFFFEA0]  }
0xe0: {  	v42 =	vld [tilespmem:s12+$0xFFFFFEB0]  }
0xe1: {  	v14 =	vimm.f32 $0.0e+00;
	v43 =	vld [tilespmem:s12+$0xFFFFFF20]  }
0xe2: {  	v44 =	vld [tilespmem:s12+$0xFFFFFF30];
	v37 =	vadd.f32 v37, v14;
	v38 =	vadd.f32 v38, v14  }
0xe3: {  	v45 =	vld [tilespmem:s12+$0xFFFFFFA0];
	v39 =	vadd.f32 v39, v14;
	v40 =	vadd.f32 v40, v14  }
0xe4: {  	v49 =	vld [tilespmem:s12+$0xFFFFFFB0];
	v35 =	vadd.f32 v35, v37;
	v36 =	vadd.f32 v36, v38  }
0xe5: {  	v52 =	vld [tilespmem:s12+$0xFFFFFFC0];
	v50 =	vadd.f32 v41, v39;
	v51 =	vadd.f32 v42, v40  }
0xe6: {  	v53 =	vld [tilespmem:s12+$0xFFFFFFD0];
	v33 =	vadd.f32 v33, v35;
	v34 =	vadd.f32 v34, v36  }
0xe7: {  	v56 =	vld [tilespmem:s12+$0xFFFFFF40];
	v54 =	vadd.f32 v43, v50;
	v55 =	vadd.f32 v44, v51  }
0xe8: {  	v57 =	vld [tilespmem:s12+$0xFFFFFF50];
	v31 =	vadd.f32 v31, v33;
	v32 =	vadd.f32 v32, v34  }
0xe9: {  	v58 =	vld [tilespmem:s12+$0xFFFFFEC0];
	v59 =	vadd.f32 v45, v54;
	v60 =	vadd.f32 v49, v55  }
0xea: {  	v61 =	vld [tilespmem:s12+$0xFFFFFED0];
	v23 =	vadd.f32 v23, v31;
	v26 =	vadd.f32 v26, v32  }
0xeb: {  	v62 =	vld [tilespmem:s12+$0xFFFFFE40];
	v27 =	vadd.f32 v27, v59;
	v28 =	vadd.f32 v28, v60  }
0xec: {  	v63 =	vld [tilespmem:s12+$0xFFFFFE50];
	v19 =	vadd.f32 v19, v23;
	v20 =	vadd.f32 v20, v26  }
0xed: {  	v23 =	vld [tilespmem:s12+$0xFFFFFE60];
	v21 =	vadd.f32 v21, v27;
	v22 =	vadd.f32 v22, v28  }
0xee: {  	v26 =	vld [tilespmem:s12+$0xFFFFFE70];
	v15 =	vadd.f32 v15, v19;
	v16 =	vadd.f32 v16, v20  }
0xef: {  	v19 =	vld [tilespmem:s12+$0xFFFFFEE0];
	v17 =	vadd.f32 v17, v21;
	v18 =	vadd.f32 v18, v22  }
0xf0: {  	v20 =	vld [tilespmem:s12+$0xFFFFFEF0];
	v10 =	vadd.f32 v10, v15;
	v11 =	vadd.f32 v11, v16  }
0xf1: {  	v15 =	vld [tilespmem:s12+$0xFFFFFF60];
	v12 =	vadd.f32 v12, v17;
	v13 =	vadd.f32 v13, v18  }
0xf2: {  	v16 =	vadd.f32 v62, v14;
	v17 =	vadd.f32 v63, v14;
	v18 =	vld [tilespmem:s12+$0xFFFFFF70]  }
0xf3: {  	v22 =	vld [tilespmem:s12+$0xFFFFFFE0];
	v21 =	vadd.f32 v23, v14;
	v14 =	vadd.f32 v26, v14  }
0xf4: {  	v23 =	vld [tilespmem:s12+$0xFFFFFFF0];
	v16 =	vadd.f32 v58, v16;
	v17 =	vadd.f32 v61, v17  }
0xf5: {  	v26 =	vld [tilespmem:s12+$0x70];
	v19 =	vadd.f32 v19, v21;
	v14 =	vadd.f32 v20, v14  }
0xf6: {  	s1 =	sadd.s32 $0x8, s0;
	v21 =	vld [tilespmem:s12+$0x60];
	v16 =	vadd.f32 v56, v16;
	v20 =	vadd.f32 v57, v17  }
0xf7: {  	p1 =	slt.s32 s1, s31;
	v17 =	vld [tilespmem:s12+$0xE0];
	v15 =	vadd.f32 v15, v19;
	v14 =	vadd.f32 v18, v14  }
.Ltmp5:
0xf8: {  	v18 =	vld [tilespmem:s12+$0xF0];
	v16 =	vadd.f32 v52, v16;
	v20 =	vadd.f32 v53, v20;
	(pc) =	sbr.rel @!p1 .LBB2_5-.Ltmp5, $4  }
0xf9: {  	v19 =	vld [tilespmem:s12+$0x160];
	v15 =	vadd.f32 v22, v15;
	v14 =	vadd.f32 v23, v14  }
0xfa: {  	v16 =	vadd.f32 v29, v16;
	v27 =	vadd.f32 v30, v20;
	v20 =	vld [tilespmem:s12+$0x170]  }
0xfb: {  	v22 =	vadd.f32 v21, v15;
	v23 =	vadd.f32 v26, v14;
	v21 =	vld [tilespmem:s12+$0x1E0]  }
0xfc: {  	s0 =	sadd.s32 $0x400, s12;
	v14 =	vld [tilespmem:s12+$0x1F0];
	v24 =	vadd.f32 v24, v16;
	v15 =	vadd.f32 v25, v27  }
.LBB2_4:
0xfd: {  	v16 =	vld [tilespmem:s0+$0x180];
	v22 =	vadd.f32 v17, v22;
	v23 =	vadd.f32 v18, v23  }
0xfe: {  	v17 =	vld [tilespmem:s0+$0x190];
	v8 =	vadd.f32 v8, v24;
	v9 =	vadd.f32 v9, v15  }
0xff: {  	v18 =	vld [tilespmem:s0+$0x1A0];
	v15 =	vadd.f32 v19, v22;
	v22 =	vadd.f32 v20, v23  }
0x100: {  	v23 =	vld [tilespmem:s0+$0x1B0];
	v19 =	vadd.f32 v6, v8;
	v20 =	vadd.f32 v7, v9  }
0x101: {  	v6 =	vld [tilespmem:s0+$0x1C0];
	v21 =	vadd.f32 v21, v15;
	v22 =	vadd.f32 v14, v22  }
0x102: {  	v7 =	vld [tilespmem:s0+$0x1D0]  }
0x103: {  	v24 =	vld [tilespmem:s0+$0x100]  }
0x104: {  	v25 =	vld [tilespmem:s0+$0x110]  }
0x105: {  	v26 =	vld [tilespmem:s0+$0x120]  }
0x106: {  	v27 =	vld [tilespmem:s0+$0x130]  }
0x107: {  	v8 =	vld [tilespmem:s0+$0x140]  }
0x108: {  	v9 =	vld [tilespmem:s0+$0x150]  }
0x109: {  	v28 =	vld [tilespmem:s0+$0x80]  }
0x10a: {  	v29 =	vld [tilespmem:s0+$0x90]  }
0x10b: {  	v30 =	vld [tilespmem:s0+$0xA0]  }
0x10c: {  	v31 =	vld [tilespmem:s0+$0xB0]  }
0x10d: {  	v14 =	vld [tilespmem:s0+$0xC0]  }
0x10e: {  	v15 =	vld [tilespmem:s0+$0xD0]  }
0x10f: {  	v32 =	vld [tilespmem:s0+$0x0]  }
0x110: {  	v33 =	vld [tilespmem:s0+$0x10]  }
0x111: {  	v34 =	vld [tilespmem:s0+$0x20]  }
0x112: {  	v35 =	vld [tilespmem:s0+$0x30]  }
0x113: {  	v36 =	vld [tilespmem:s0+$0x40]  }
0x114: {  	v37 =	vld [tilespmem:s0+$0x50]  }
0x115: {  	v38 =	vld [tilespmem:s0+$0xFFFFFF80]  }
0x116: {  	v39 =	vld [tilespmem:s0+$0xFFFFFF90]  }
0x117: {  	v40 =	vld [tilespmem:s0+$0xFFFFFF00]  }
0x118: {  	v41 =	vld [tilespmem:s0+$0xFFFFFF10]  }
0x119: {  	v42 =	vld [tilespmem:s0+$0xFFFFFE80]  }
0x11a: {  	v43 =	vld [tilespmem:s0+$0xFFFFFE90]  }
0x11b: {  	v44 =	vld [tilespmem:s0+$0xFFFFFE00]  }
0x11c: {  	v45 =	vld [tilespmem:s0+$0xFFFFFE10]  }
0x11d: {  	v46 =	vld [tilespmem:s0+$0xFFFFFE20]  }
0x11e: {  	v47 =	vld [tilespmem:s0+$0xFFFFFE30]  }
0x11f: {  	v48 =	vld [tilespmem:s0+$0xFFFFFEA0]  }
0x120: {  	v49 =	vld [tilespmem:s0+$0xFFFFFEB0]  }
0x121: {  	v50 =	vld [tilespmem:s0+$0xFFFFFF20]  }
0x122: {  	v10 =	vadd.f32 v44, v10;
	v11 =	vadd.f32 v45, v11;
	v44 =	vld [tilespmem:s0+$0xFFFFFF30]  }
0x123: {  	v12 =	vadd.f32 v46, v12;
	v13 =	vadd.f32 v47, v13;
	v45 =	vld [tilespmem:s0+$0xFFFFFFA0]  }
0x124: {  	v10 =	vadd.f32 v42, v10;
	v11 =	vadd.f32 v43, v11;
	v42 =	vld [tilespmem:s0+$0xFFFFFFB0]  }
0x125: {  	v12 =	vadd.f32 v48, v12;
	v13 =	vadd.f32 v49, v13;
	v43 =	vld [tilespmem:s0+$0xFFFFFFC0]  }
0x126: {  	v10 =	vadd.f32 v40, v10;
	v11 =	vadd.f32 v41, v11;
	v40 =	vld [tilespmem:s0+$0xFFFFFFD0]  }
0x127: {  	v12 =	vadd.f32 v50, v12;
	v13 =	vadd.f32 v44, v13;
	v41 =	vld [tilespmem:s0+$0xFFFFFF40]  }
0x128: {  	v10 =	vadd.f32 v38, v10;
	v11 =	vadd.f32 v39, v11;
	v44 =	vld [tilespmem:s0+$0xFFFFFF50]  }
0x129: {  	v12 =	vadd.f32 v45, v12;
	v38 =	vld [tilespmem:s0+$0xFFFFFEC0];
	v13 =	vadd.f32 v42, v13  }
0x12a: {  	v10 =	vadd.f32 v32, v10;
	v11 =	vadd.f32 v33, v11;
	v39 =	vld [tilespmem:s0+$0xFFFFFED0]  }
0x12b: {  	v12 =	vadd.f32 v34, v12;
	v32 =	vld [tilespmem:s0+$0xFFFFFE40];
	v13 =	vadd.f32 v35, v13  }
0x12c: {  	v10 =	vadd.f32 v28, v10;
	v11 =	vadd.f32 v29, v11;
	v33 =	vld [tilespmem:s0+$0xFFFFFE50]  }
0x12d: {  	v12 =	vadd.f32 v30, v12;
	v28 =	vld [tilespmem:s0+$0xFFFFFE60];
	v13 =	vadd.f32 v31, v13  }
0x12e: {  	s1 =	sadd.s32 $0x8, s1;
	v10 =	vadd.f32 v24, v10;
	v11 =	vadd.f32 v25, v11;
	v29 =	vld [tilespmem:s0+$0xFFFFFE70]  }
0x12f: {  	p1 =	slt.s32 s1, s31;
	v12 =	vadd.f32 v26, v12;
	v24 =	vld [tilespmem:s0+$0xFFFFFEE0];
	v13 =	vadd.f32 v27, v13  }
0x130: {  	v10 =	vadd.f32 v16, v10;
	v11 =	vadd.f32 v17, v11;
	v25 =	vld [tilespmem:s0+$0xFFFFFEF0]  }
0x131: {  	v12 =	vadd.f32 v18, v12;
	v16 =	vld [tilespmem:s0+$0xFFFFFF60];
	v13 =	vadd.f32 v23, v13  }
0x132: {  	v17 =	vadd.f32 v32, v19;
	v18 =	vadd.f32 v33, v20;
	v19 =	vld [tilespmem:s0+$0xFFFFFF70]  }
0x133: {  	v20 =	vadd.f32 v28, v21;
	v21 =	vadd.f32 v29, v22;
	v22 =	vld [tilespmem:s0+$0xFFFFFFE0]  }
0x134: {  	v17 =	vadd.f32 v38, v17;
	v18 =	vadd.f32 v39, v18;
	v23 =	vld [tilespmem:s0+$0xFFFFFFF0]  }
0x135: {  	v20 =	vadd.f32 v24, v20;
	v21 =	vadd.f32 v25, v21;
	v24 =	vld [tilespmem:s0+$0x60]  }
0x136: {  	v25 =	vadd.f32 v41, v17;
	v18 =	vadd.f32 v44, v18;
	v26 =	vld [tilespmem:s0+$0x70]  }
0x137: {  	v16 =	vadd.f32 v16, v20;
	v19 =	vadd.f32 v19, v21;
	v17 =	vld [tilespmem:s0+$0xE0]  }
.Ltmp6:
0x138: {  	v20 =	vadd.f32 v43, v25;
	v21 =	vadd.f32 v40, v18;
	v18 =	vld [tilespmem:s0+$0xF0];
	(pc) =	sbr.rel @p1 .LBB2_4-.Ltmp6, $4  }
0x139: {  	v16 =	vadd.f32 v22, v16;
	v23 =	vadd.f32 v23, v19;
	v19 =	vld [tilespmem:s0+$0x160]  }
0x13a: {  	v25 =	vadd.f32 v36, v20;
	v27 =	vadd.f32 v37, v21;
	v20 =	vld [tilespmem:s0+$0x170]  }
0x13b: {  	v22 =	vadd.f32 v24, v16;
	v23 =	vadd.f32 v26, v23;
	v21 =	vld [tilespmem:s0+$0x1E0]  }
0x13c: {  	v24 =	vadd.f32 v14, v25;
	v15 =	vadd.f32 v15, v27;
	v14 =	vld [tilespmem:s0+$0x1F0];
	s0 =	sadd.s32 $0x400, s0  }
.LBB2_5:
0x13d: {  	v16 =	vadd.f32 v17, v22;
	v62 =	vadd.f32 v18, v23  }
0x13e: {  	v8 =	vadd.f32 v8, v24;
	v9 =	vadd.f32 v9, v15  }
0x13f: {  	v15 =	vadd.f32 v19, v16;
	v63 =	vadd.f32 v20, v62  }
0x140: {  	v6 =	vadd.f32 v6, v8;
	v7 =	vadd.f32 v7, v9  }
0x141: {  	v8 =	vadd.f32 v21, v15;
	v9 =	vadd.f32 v14, v63  }
.LBB2_6:
0x142: {  	p1 =	sge.s32 s31, s28  }
.Ltmp7:
0x143: {  	_ = 	snop;
	(pc) =	sbr.rel @p1 .LBB2_9-.Ltmp7, $1  }
0x144: {  	_ =	sdelay $0x3  }
0x145: {  	s0 =	ssub.s32 s29, s30  }
0x146: {  	s1 =	sshll.u32 s28, $0x9;
	s12 =	sshll.u32 s0, $0x9  }
0x147: {  	s1 =	ssub.s32 s1, s12  }
0x148: {  	s1 =	sshra.s32 s1, $0x2  }
0x149: {  	s1 =	sor.u32 $0x50, s1  }
.LBB2_8:
0x14a: {  	v14 =	vld [tilespmem:s1+$0xFFFFFFC0]  }
0x14b: {  	v15 =	vld [tilespmem:s1+$0xFFFFFFD0]  }
0x14c: {  	v16 =	vld [tilespmem:s1+$0xFFFFFFE0]  }
0x14d: {  	v17 =	vld [tilespmem:s1+$0xFFFFFFF0]  }
0x14e: {  	v18 =	vld [tilespmem:s1+$0x0]  }
0x14f: {  	v19 =	vld [tilespmem:s1+$0x10]  }
0x150: {  	v20 =	vld [tilespmem:s1+$0x20]  }
0x151: {  	v21 =	vld [tilespmem:s1+$0x30];
	p1 =	sne.s32 s0, $0x1  }
.Ltmp8:
0x152: {  	_ = 	snop;
	(pc) =	sbr.rel @p1 .LBB2_8-.Ltmp8, $4  }
0x153: {  	v10 =	vadd.f32 v14, v10;
	v11 =	vadd.f32 v15, v11  }
0x154: {  	v12 =	vadd.f32 v16, v12;
	v13 =	vadd.f32 v17, v13  }
0x155: {  	v6 =	vadd.f32 v18, v6;
	v7 =	vadd.f32 v19, v7  }
0x156: {  	s1 =	sadd.s32 $0x80, s1;
	s0 =	sadd.s32 $0xFFFFFFFF, s0;
	v8 =	vadd.f32 v20, v8;
	v9 =	vadd.f32 v21, v9  }
.Ltmp9:
0x157: {  	_ = 	snop;
	(pc) =	sbr.rel .LBB2_9-.Ltmp9, $1  }
0x158: {  	_ =	sdelay $0x3  }
.LBB2_10:
.Ltmp10:
0x159: {  	(pc) =	sbr.rel .LBB2_11-.Ltmp10, $4  }
0x15a: {  	_ = 	snop  }
0x15b: {  	_ =	swait.ge [sflag:s16], $0x8000  }
0x15c: {  	[sflag:s16] =	ssyncset.done $0x0  }
0x15d: {  	s26 =	simm.s32 $0x0;
	[sflag:s16] =	ssyncadd.s32 $0xFFFF8000  }
.LBB2_18:
0x15e: {  	[tilespmem:s28+$0x10010] =	vst v8  }
0x15f: {  	[tilespmem:s28+$0x10020] =	vst v9;
	s26 =	sadd.s32 $0x1, s26  }
0x160: {  	[tilespmem:s28+$0x10030] =	vst v11;
	p1 =	sne.s32 s26, $0x8  }
.Ltmp11:
0x161: {  	[tilespmem:s28+$0x10040] =	vst v13;
	(pc) =	sbr.rel @!p1 .LBB2_19-.Ltmp11, $4  }
0x162: {  	[tilespmem:s28+$0x10050] =	vst v14  }
0x163: {  	[tilespmem:s28+$0x10060] =	vst v17  }
0x164: {  	[tilespmem:s28+$0x10070] =	vst v15  }
0x165: {  	[tilespmem:s28+$0x10080] =	vst v16  }
.LBB2_11:
0x166: {  	s0 =	sor.u32 s5, s26  }
0x167: {  	v6 =	vmov s0  }
0x168: {  	vm3 =	veq.s32 v6, v1  }
0x169: {  	v6 =	vnsel vm3, $0x0, v4  }
0x16a: {  	(xrf0) =	vadd.scan.msk.s32 $0xffff, v6;
	v6 =	vnsel vm3, $0x0, v5  }
0x16b: {  	(xrf0) =	vadd.scan.msk.s32 $0xffff, v6;
	_ =	sdelay $0x4  }
0x16c: {  	v6, _, _ =	vpop (xrf0)  }
0x16d: {  	(v2sf) =	vpush v6, $0xF;
	v6, _, _ =	vpop (xrf0)  }
0x16e: {  	(v2sf) =	vpush v6, $0xF;
	_ =	sdelay $0xd  }
0x16f: {  	s0 =	spop (v2sf)  }
0x170: {  	s29 =	spop (v2sf)  }
0x171: {  	p1 =	sgt.s32 s0, $0x100;
	p2 =	sgt.s32 s29, $0x100  }
0x172: {  	s0 =	simm.s32 @!p1 $0x100;
	s29 =	simm.s32 @!p2 $0x100  }
0x173: {  	s30 =	ssub.s32 s29, s0  }
0x174: {  	s1 =	sshll.u32 s26, $0x7;
	s12 =	sshra.s32 s30, $0x1F  }
0x175: {  	s28 =	sand.u32 $0x3FFFFF80, s1;
	s1 =	sshrl.u32 s12, $0x1D  }
0x176: {  	s1 =	sadd.s32 s1, s30  }
0x177: {  	v8 =	vld [tilespmem:s28+$0x10010];
	s31 =	sand.u32 $0xFFFFFFF8, s1  }
0x178: {  	v9 =	vld [tilespmem:s28+$0x10020];
	s1 =	sadd.s32 s0, s31  }
0x179: {  	v11 =	vld [tilespmem:s28+$0x10030];
	p1 =	sge.s32 s0, s1  }
.Ltmp12:
0x17a: {  	v13 =	vld [tilespmem:s28+$0x10040];
	(pc) =	sbr.rel @p1 .LBB2_15-.Ltmp12, $4  }
0x17b: {  	v14 =	vld [tilespmem:s28+$0x10050]  }
0x17c: {  	v17 =	vld [tilespmem:s28+$0x10060]  }
0x17d: {  	v15 =	vld [tilespmem:s28+$0x10070]  }
0x17e: {  	v16 =	vld [tilespmem:s28+$0x10080]  }
0x17f: {  	s12 =	sshll.u32 s0, $0x9  }
0x180: {  	s12 =	sshra.s32 s12, $0x2  }
0x181: {  	s12 =	sadd.s32 $0x210, s12  }
0x182: {  	v18 =	vld [tilespmem:s12+$0x180]  }
0x183: {  	v19 =	vld [tilespmem:s12+$0x190]  }
0x184: {  	v20 =	vld [tilespmem:s12+$0x1A0]  }
0x185: {  	v21 =	vld [tilespmem:s12+$0x1B0]  }
0x186: {  	v6 =	vld [tilespmem:s12+$0x1C0]  }
0x187: {  	v7 =	vld [tilespmem:s12+$0x1D0]  }
0x188: {  	v22 =	vld [tilespmem:s12+$0x100]  }
0x189: {  	v23 =	vld [tilespmem:s12+$0x110]  }
0x18a: {  	v24 =	vld [tilespmem:s12+$0x120]  }
0x18b: {  	v25 =	vld [tilespmem:s12+$0x130]  }
0x18c: {  	v10 =	vld [tilespmem:s12+$0x140]  }
0x18d: {  	v12 =	vld [tilespmem:s12+$0x150]  }
0x18e: {  	v26 =	vld [tilespmem:s12+$0x80]  }
0x18f: {  	v27 =	vld [tilespmem:s12+$0x90]  }
0x190: {  	v28 =	vld [tilespmem:s12+$0xA0]  }
0x191: {  	v29 =	vld [tilespmem:s12+$0xB0]  }
0x192: {  	v30 =	vld [tilespmem:s12+$0xC0]  }
0x193: {  	v31 =	vld [tilespmem:s12+$0xD0]  }
0x194: {  	v32 =	vld [tilespmem:s12+$0x0]  }
0x195: {  	v33 =	vld [tilespmem:s12+$0x10]  }
0x196: {  	v34 =	vld [tilespmem:s12+$0x20]  }
0x197: {  	v35 =	vld [tilespmem:s12+$0x30]  }
0x198: {  	v36 =	vld [tilespmem:s12+$0x40]  }
0x199: {  	v38 =	vld [tilespmem:s12+$0xFFFFFF80]  }
0x19a: {  	v39 =	vld [tilespmem:s12+$0xFFFFFF90]  }
0x19b: {  	v40 =	vld [tilespmem:s12+$0xFFFFFF00]  }
0x19c: {  	v41 =	vld [tilespmem:s12+$0xFFFFFF10]  }
0x19d: {  	v42 =	vld [tilespmem:s12+$0xFFFFFE80]  }
0x19e: {  	v43 =	vld [tilespmem:s12+$0xFFFFFE90]  }
0x19f: {  	v44 =	vld [tilespmem:s12+$0xFFFFFE00]  }
0x1a0: {  	v45 =	vld [tilespmem:s12+$0xFFFFFE10]  }
0x1a1: {  	v46 =	vld [tilespmem:s12+$0xFFFFFE20]  }
0x1a2: {  	v47 =	vld [tilespmem:s12+$0xFFFFFE30]  }
0x1a3: {  	v62 =	vld [tilespmem:s12+$0xFFFFFE40]  }
0x1a4: {  	v63 =	vld [tilespmem:s12+$0xFFFFFE50]  }
0x1a5: {  	v48 =	vld [tilespmem:s12+$0xFFFFFEA0]  }
0x1a6: {  	v49 =	vld [tilespmem:s12+$0xFFFFFEB0]  }
0x1a7: {  	v60 =	vld [tilespmem:s12+$0xFFFFFEC0];
	v8 =	vadd.f32 v44, v8;
	v9 =	vadd.f32 v45, v9  }
0x1a8: {  	v50 =	vld [tilespmem:s12+$0xFFFFFF20];
	v11 =	vadd.f32 v46, v11;
	v13 =	vadd.f32 v47, v13  }
0x1a9: {  	v53 =	vld [tilespmem:s12+$0xFFFFFF30];
	v14 =	vadd.f32 v62, v14;
	v17 =	vadd.f32 v63, v17  }
0x1aa: {  	v54 =	vld [tilespmem:s12+$0xFFFFFFA0];
	v8 =	vadd.f32 v42, v8;
	v9 =	vadd.f32 v43, v9  }
0x1ab: {  	v55 =	vld [tilespmem:s12+$0xFFFFFFB0];
	v11 =	vadd.f32 v48, v11;
	v13 =	vadd.f32 v49, v13  }
0x1ac: {  	v37 =	vld [tilespmem:s12+$0x50];
	v14 =	vadd.f32 v60, v14;
	v8 =	vadd.f32 v40, v8  }
0x1ad: {  	v56 =	vld [tilespmem:s12+$0xFFFFFFC0];
	v9 =	vadd.f32 v41, v9;
	v11 =	vadd.f32 v50, v11  }
0x1ae: {  	v57 =	vld [tilespmem:s12+$0xFFFFFFD0];
	v13 =	vadd.f32 v53, v13;
	v8 =	vadd.f32 v38, v8  }
0x1af: {  	v58 =	vld [tilespmem:s12+$0xFFFFFF40];
	v9 =	vadd.f32 v39, v9;
	v11 =	vadd.f32 v54, v11  }
0x1b0: {  	v59 =	vld [tilespmem:s12+$0xFFFFFF50];
	v13 =	vadd.f32 v55, v13;
	v8 =	vadd.f32 v32, v8  }
0x1b1: {  	v61 =	vld [tilespmem:s12+$0xFFFFFED0];
	v9 =	vadd.f32 v33, v9;
	v11 =	vadd.f32 v34, v11  }
0x1b2: {  	v13 =	vadd.f32 v35, v13;
	v8 =	vadd.f32 v26, v8;
	v26 =	vld [tilespmem:s12+$0xFFFFFE60]  }
0x1b3: {  	v9 =	vadd.f32 v27, v9;
	v11 =	vadd.f32 v28, v11;
	v27 =	vld [tilespmem:s12+$0xFFFFFE70]  }
0x1b4: {  	v13 =	vadd.f32 v29, v13;
	v8 =	vadd.f32 v22, v8;
	v22 =	vld [tilespmem:s12+$0xFFFFFEE0]  }
0x1b5: {  	v9 =	vadd.f32 v23, v9;
	v11 =	vadd.f32 v24, v11;
	v23 =	vld [tilespmem:s12+$0xFFFFFEF0]  }
0x1b6: {  	v13 =	vadd.f32 v25, v13;
	v8 =	vadd.f32 v18, v8;
	v18 =	vld [tilespmem:s12+$0xFFFFFF60]  }
0x1b7: {  	v9 =	vadd.f32 v19, v9;
	v11 =	vadd.f32 v20, v11;
	v19 =	vld [tilespmem:s12+$0xFFFFFF70]  }
0x1b8: {  	v20 =	vld [tilespmem:s12+$0xFFFFFFE0];
	v15 =	vadd.f32 v26, v15;
	v16 =	vadd.f32 v27, v16  }
0x1b9: {  	v17 =	vadd.f32 v61, v17;
	v13 =	vadd.f32 v21, v13;
	v21 =	vld [tilespmem:s12+$0xFFFFFFF0]  }
0x1ba: {  	v24 =	vld [tilespmem:s12+$0x70];
	v15 =	vadd.f32 v22, v15;
	v16 =	vadd.f32 v23, v16  }
0x1bb: {  	s0 =	sadd.s32 $0x8, s0;
	v14 =	vadd.f32 v58, v14;
	v22 =	vld [tilespmem:s12+$0x60];
	v23 =	vadd.f32 v59, v17  }
0x1bc: {  	p1 =	slt.s32 s0, s1;
	v17 =	vld [tilespmem:s12+$0xE0];
	v15 =	vadd.f32 v18, v15;
	v16 =	vadd.f32 v19, v16  }
.Ltmp13:
0x1bd: {  	v14 =	vadd.f32 v56, v14;
	v23 =	vadd.f32 v57, v23;
	v18 =	vld [tilespmem:s12+$0xF0];
	(pc) =	sbr.rel @!p1 .LBB2_14-.Ltmp13, $4  }
0x1be: {  	v19 =	vld [tilespmem:s12+$0x160];
	v15 =	vadd.f32 v20, v15;
	v16 =	vadd.f32 v21, v16  }
0x1bf: {  	v14 =	vadd.f32 v36, v14;
	v25 =	vadd.f32 v37, v23;
	v20 =	vld [tilespmem:s12+$0x170]  }
0x1c0: {  	v21 =	vld [tilespmem:s12+$0x1E0];
	v23 =	vadd.f32 v22, v15;
	v24 =	vadd.f32 v24, v16  }
0x1c1: {  	v14 =	vadd.f32 v30, v14;
	v15 =	vadd.f32 v31, v25;
	v22 =	vld [tilespmem:s12+$0x1F0];
	s12 =	sadd.s32 $0x400, s12  }
.LBB2_13:
0x1c2: {  	v16 =	vld [tilespmem:s12+$0x180];
	v23 =	vadd.f32 v17, v23;
	v24 =	vadd.f32 v18, v24  }
0x1c3: {  	v17 =	vld [tilespmem:s12+$0x190];
	v10 =	vadd.f32 v10, v14;
	v12 =	vadd.f32 v12, v15  }
0x1c4: {  	v18 =	vld [tilespmem:s12+$0x1A0];
	v14 =	vadd.f32 v19, v23;
	v15 =	vadd.f32 v20, v24  }
0x1c5: {  	v23 =	vld [tilespmem:s12+$0x1B0];
	v19 =	vadd.f32 v6, v10;
	v20 =	vadd.f32 v7, v12  }
0x1c6: {  	v6 =	vld [tilespmem:s12+$0x1C0];
	v21 =	vadd.f32 v21, v14;
	v22 =	vadd.f32 v22, v15  }
0x1c7: {  	v7 =	vld [tilespmem:s12+$0x1D0]  }
0x1c8: {  	v24 =	vld [tilespmem:s12+$0x100]  }
0x1c9: {  	v25 =	vld [tilespmem:s12+$0x110]  }
0x1ca: {  	v26 =	vld [tilespmem:s12+$0x120]  }
0x1cb: {  	v27 =	vld [tilespmem:s12+$0x130]  }
0x1cc: {  	v10 =	vld [tilespmem:s12+$0x140]  }
0x1cd: {  	v12 =	vld [tilespmem:s12+$0x150]  }
0x1ce: {  	v28 =	vld [tilespmem:s12+$0x80]  }
0x1cf: {  	v29 =	vld [tilespmem:s12+$0x90]  }
0x1d0: {  	v30 =	vld [tilespmem:s12+$0xA0]  }
0x1d1: {  	v31 =	vld [tilespmem:s12+$0xB0]  }
0x1d2: {  	v14 =	vld [tilespmem:s12+$0xC0]  }
0x1d3: {  	v15 =	vld [tilespmem:s12+$0xD0]  }
0x1d4: {  	v32 =	vld [tilespmem:s12+$0x0]  }
0x1d5: {  	v33 =	vld [tilespmem:s12+$0x10]  }
0x1d6: {  	v34 =	vld [tilespmem:s12+$0x20]  }
0x1d7: {  	v35 =	vld [tilespmem:s12+$0x30]  }
0x1d8: {  	v36 =	vld [tilespmem:s12+$0x40]  }
0x1d9: {  	v37 =	vld [tilespmem:s12+$0x50]  }
0x1da: {  	v38 =	vld [tilespmem:s12+$0xFFFFFF80]  }
0x1db: {  	v39 =	vld [tilespmem:s12+$0xFFFFFF90]  }
0x1dc: {  	v40 =	vld [tilespmem:s12+$0xFFFFFF00]  }
0x1dd: {  	v41 =	vld [tilespmem:s12+$0xFFFFFF10]  }
0x1de: {  	v42 =	vld [tilespmem:s12+$0xFFFFFE80]  }
0x1df: {  	v43 =	vld [tilespmem:s12+$0xFFFFFE90]  }
0x1e0: {  	v44 =	vld [tilespmem:s12+$0xFFFFFE00]  }
0x1e1: {  	v45 =	vld [tilespmem:s12+$0xFFFFFE10]  }
0x1e2: {  	v46 =	vld [tilespmem:s12+$0xFFFFFE20]  }
0x1e3: {  	v47 =	vld [tilespmem:s12+$0xFFFFFE30]  }
0x1e4: {  	v48 =	vld [tilespmem:s12+$0xFFFFFEA0]  }
0x1e5: {  	v49 =	vld [tilespmem:s12+$0xFFFFFEB0]  }
0x1e6: {  	v50 =	vld [tilespmem:s12+$0xFFFFFF20]  }
0x1e7: {  	v8 =	vadd.f32 v44, v8;
	v9 =	vadd.f32 v45, v9;
	v44 =	vld [tilespmem:s12+$0xFFFFFF30]  }
0x1e8: {  	v11 =	vadd.f32 v46, v11;
	v13 =	vadd.f32 v47, v13;
	v45 =	vld [tilespmem:s12+$0xFFFFFFA0]  }
0x1e9: {  	v8 =	vadd.f32 v42, v8;
	v9 =	vadd.f32 v43, v9;
	v42 =	vld [tilespmem:s12+$0xFFFFFFB0]  }
0x1ea: {  	v11 =	vadd.f32 v48, v11;
	v13 =	vadd.f32 v49, v13;
	v43 =	vld [tilespmem:s12+$0xFFFFFFC0]  }
0x1eb: {  	v8 =	vadd.f32 v40, v8;
	v9 =	vadd.f32 v41, v9;
	v40 =	vld [tilespmem:s12+$0xFFFFFFD0]  }
0x1ec: {  	v11 =	vadd.f32 v50, v11;
	v13 =	vadd.f32 v44, v13;
	v41 =	vld [tilespmem:s12+$0xFFFFFF40]  }
0x1ed: {  	v8 =	vadd.f32 v38, v8;
	v9 =	vadd.f32 v39, v9;
	v44 =	vld [tilespmem:s12+$0xFFFFFF50]  }
0x1ee: {  	v11 =	vadd.f32 v45, v11;
	v38 =	vld [tilespmem:s12+$0xFFFFFEC0];
	v13 =	vadd.f32 v42, v13  }
0x1ef: {  	v8 =	vadd.f32 v32, v8;
	v9 =	vadd.f32 v33, v9;
	v39 =	vld [tilespmem:s12+$0xFFFFFED0]  }
0x1f0: {  	v11 =	vadd.f32 v34, v11;
	v32 =	vld [tilespmem:s12+$0xFFFFFE40];
	v13 =	vadd.f32 v35, v13  }
0x1f1: {  	v8 =	vadd.f32 v28, v8;
	v9 =	vadd.f32 v29, v9;
	v33 =	vld [tilespmem:s12+$0xFFFFFE50]  }
0x1f2: {  	v11 =	vadd.f32 v30, v11;
	v28 =	vld [tilespmem:s12+$0xFFFFFE60];
	v13 =	vadd.f32 v31, v13  }
0x1f3: {  	s0 =	sadd.s32 $0x8, s0;
	v8 =	vadd.f32 v24, v8;
	v9 =	vadd.f32 v25, v9;
	v29 =	vld [tilespmem:s12+$0xFFFFFE70]  }
0x1f4: {  	p1 =	slt.s32 s0, s1;
	v11 =	vadd.f32 v26, v11;
	v24 =	vld [tilespmem:s12+$0xFFFFFEE0];
	v13 =	vadd.f32 v27, v13  }
0x1f5: {  	v8 =	vadd.f32 v16, v8;
	v9 =	vadd.f32 v17, v9;
	v25 =	vld [tilespmem:s12+$0xFFFFFEF0]  }
0x1f6: {  	v11 =	vadd.f32 v18, v11;
	v16 =	vld [tilespmem:s12+$0xFFFFFF60];
	v13 =	vadd.f32 v23, v13  }
0x1f7: {  	v17 =	vadd.f32 v32, v19;
	v18 =	vadd.f32 v33, v20;
	v19 =	vld [tilespmem:s12+$0xFFFFFF70]  }
0x1f8: {  	v20 =	vadd.f32 v28, v21;
	v21 =	vadd.f32 v29, v22;
	v22 =	vld [tilespmem:s12+$0xFFFFFFE0]  }
0x1f9: {  	v17 =	vadd.f32 v38, v17;
	v18 =	vadd.f32 v39, v18;
	v23 =	vld [tilespmem:s12+$0xFFFFFFF0]  }
0x1fa: {  	v20 =	vadd.f32 v24, v20;
	v21 =	vadd.f32 v25, v21;
	v24 =	vld [tilespmem:s12+$0x60]  }
0x1fb: {  	v25 =	vadd.f32 v41, v17;
	v18 =	vadd.f32 v44, v18;
	v26 =	vld [tilespmem:s12+$0x70]  }
0x1fc: {  	v16 =	vadd.f32 v16, v20;
	v19 =	vadd.f32 v19, v21;
	v17 =	vld [tilespmem:s12+$0xE0]  }
.Ltmp14:
0x1fd: {  	v20 =	vadd.f32 v43, v25;
	v21 =	vadd.f32 v40, v18;
	v18 =	vld [tilespmem:s12+$0xF0];
	(pc) =	sbr.rel @p1 .LBB2_13-.Ltmp14, $4  }
0x1fe: {  	v16 =	vadd.f32 v22, v16;
	v22 =	vadd.f32 v23, v19;
	v19 =	vld [tilespmem:s12+$0x160]  }
0x1ff: {  	v25 =	vadd.f32 v36, v20;
	v27 =	vadd.f32 v37, v21;
	v20 =	vld [tilespmem:s12+$0x170]  }
0x200: {  	v23 =	vadd.f32 v24, v16;
	v24 =	vadd.f32 v26, v22;
	v21 =	vld [tilespmem:s12+$0x1E0]  }
0x201: {  	v14 =	vadd.f32 v14, v25;
	v15 =	vadd.f32 v15, v27;
	v22 =	vld [tilespmem:s12+$0x1F0];
	s12 =	sadd.s32 $0x400, s12  }
.LBB2_14:
0x202: {  	v16 =	vadd.f32 v17, v23;
	v17 =	vadd.f32 v18, v24  }
0x203: {  	v10 =	vadd.f32 v10, v14;
	v12 =	vadd.f32 v12, v15  }
0x204: {  	v15 =	vadd.f32 v19, v16;
	v16 =	vadd.f32 v20, v17  }
0x205: {  	v14 =	vadd.f32 v6, v10;
	v17 =	vadd.f32 v7, v12  }
0x206: {  	v15 =	vadd.f32 v21, v15;
	v16 =	vadd.f32 v22, v16  }
.LBB2_15:
0x207: {  	p1 =	sge.s32 s1, s29  }
.Ltmp15:
0x208: {  	_ = 	snop;
	(pc) =	sbr.rel @p1 .LBB2_18-.Ltmp15, $1  }
0x209: {  	_ =	sdelay $0x3  }
0x20a: {  	s0 =	ssub.s32 s30, s31  }
0x20b: {  	s1 =	sshll.u32 s29, $0x9;
	s12 =	sshll.u32 s0, $0x9  }
0x20c: {  	s1 =	ssub.s32 s1, s12  }
0x20d: {  	s1 =	sshra.s32 s1, $0x2  }
0x20e: {  	s1 =	sor.u32 $0x50, s1  }
.LBB2_17:
0x20f: {  	v6 =	vld [tilespmem:s1+$0xFFFFFFC0]  }
0x210: {  	v7 =	vld [tilespmem:s1+$0xFFFFFFD0]  }
0x211: {  	v10 =	vld [tilespmem:s1+$0xFFFFFFE0]  }
0x212: {  	v12 =	vld [tilespmem:s1+$0xFFFFFFF0]  }
0x213: {  	v18 =	vld [tilespmem:s1+$0x0]  }
0x214: {  	v19 =	vld [tilespmem:s1+$0x10]  }
0x215: {  	v20 =	vld [tilespmem:s1+$0x20]  }
0x216: {  	v21 =	vld [tilespmem:s1+$0x30];
	p1 =	sne.s32 s0, $0x1  }
.Ltmp16:
0x217: {  	_ = 	snop;
	(pc) =	sbr.rel @p1 .LBB2_17-.Ltmp16, $4  }
0x218: {  	v8 =	vadd.f32 v6, v8;
	v9 =	vadd.f32 v7, v9  }
0x219: {  	v11 =	vadd.f32 v10, v11;
	v13 =	vadd.f32 v12, v13  }
0x21a: {  	v14 =	vadd.f32 v18, v14;
	v17 =	vadd.f32 v19, v17  }
0x21b: {  	s1 =	sadd.s32 $0x80, s1;
	s0 =	sadd.s32 $0xFFFFFFFF, s0;
	v15 =	vadd.f32 v20, v15;
	v16 =	vadd.f32 v21, v16  }
.Ltmp17:
0x21c: {  	_ = 	snop;
	(pc) =	sbr.rel .LBB2_18-.Ltmp17, $1  }
0x21d: {  	_ =	sdelay $0x3  }
.LBB2_20:
0x21e: {  	_ =	sfence.sel $0x180000  }
0x21f: {  	[bflag:$0x0] =	sbarrier.arrive $0xFFFF  }
0x220: {  	_ =	strace $0x90000047  }
0x221: {  	s0 =	stileid.u32;
	[bflag:$0x2] =	sbarrier.arrive $0xFFFF  }
0x222: {  	p0 =	sne.s32 s0, $0x0;
	s0 =	rddreg [dreg:$0x4]  }
0x223: {  	s0 =	sadd.s32 @!p0 $0x100000, s0  }
0x224: {  	[sflag:s0] =	ssyncadd.tile.s32 @!p0 $0x1;
	_ =	shalt  }
.Lfunc_end2:
_tile_overlayer_lowered:
.L_overlay_start_2:
0x225: {  	(tag) =	ssettag $0x2  }
0x226: {  	s0 =	rddreg [dreg:$0x0];
	s2 =	stileid.u32  }
0x227: {  	s1 =	rddreg [dreg:$0x1];
	p0 =	sne.s32 s2, $0x0  }
0x228: {  	s3 =	rddreg [dreg:$0x2];
	[bflag:$0x3] =	sbarrier.arrive $0xFFFF;
	s2 =	simm.s32 @!p0 $0x1C05  }
0x229: {  	[timem:s3], [sflag:s2] =	dma.local @!p0 [hbm:s0], s1  }
0x22a: {  	s0 =	simm.s32 @!p0 $0x5  }
0x22b: {  	_ =	swait.ge @!p0 [sflag:s0], s1  }
0x22c: {  	s1 =	ssub.s32 @!p0 $0x0, s1;
	[sflag:s0] =	ssyncset.done @!p0 $0x0  }
0x22d: {  	[sflag:s0] =	ssyncadd.s32 @!p0 s1  }
0x22e: {  	[bflag:$0x3] =	sbarrier.arrive $0xFFFF  }
0x22f: {  	_ =	shalt  }

</sc_bundles>
